<compile_context>
chip_gen: v7x
topology: tpu7x:2x2x1
jax: 0.10.2.dev20260603
libtpu: 0.0.44.dev20260713+nightly
codegen_flags: <defaults>
</compile_context>

<pallas_src>
import functools

import jax
import jax.numpy as jnp
from jax import lax
from jax.experimental import pallas as pl
from jax.experimental.pallas import tpu as pltpu
from jax.experimental.pallas import tpu_sc as plsc

D_MODEL = 768
HALF = D_MODEL // 2
H = 256
W = 256
NW = 32
CPW = HALF // NW
REP_ROWS = 8
NREP = H // REP_ROWS
STRIPE_W = 128
NJ = W // 16


def _body(tab, out, rows1_v, rows2_v, rep_v, stripe_v, sem_r, sem_h0, sem_h1):
    wid = lax.axis_index("s") * 2 + lax.axis_index("c")

    pltpu.sync_copy(tab.at[pl.ds(wid * CPW * W, CPW * W)], rows1_v)
    pltpu.sync_copy(tab.at[pl.ds((HALF + wid * CPW) * W, CPW * W)], rows2_v)

    def plane_pair(k, carry):
        c1 = wid * CPW + k
        c2 = HALF + wid * CPW + k

        chunks = [rows1_v[pl.ds(k * W + j * 16, 16)] for j in range(NJ)]

        def fill_rep(r, carry2):
            for j in range(NJ):
                rep_v[r, pl.ds(j * 16, 16)] = chunks[j]
            return carry2

        lax.fori_loop(0, REP_ROWS, fill_rep, 0)

        @pl.when(k > 0)
        def _():
            c2p = c2 - 1
            pltpu.make_async_copy(
                stripe_v, out.at[c2p, :, pl.ds(0, STRIPE_W)], sem_h0).wait()
            pltpu.make_async_copy(
                stripe_v, out.at[c2p, :, pl.ds(STRIPE_W, STRIPE_W)],
                sem_h1).wait()

        def fire_rep(d, carry2):
            pltpu.async_copy(
                rep_v, out.at[c1, pl.ds(d * REP_ROWS, REP_ROWS)], sem_r)
            return carry2

        lax.fori_loop(0, NREP, fire_rep, 0)

        def fill_chunk(cb, carry2):
            chunk = rows2_v[pl.ds(k * W + cb * 16, 16)]
            for lane in range(16):
                val = jnp.full((16,), chunk[lane])
                r = cb * 16 + lane
                for j in range(STRIPE_W // 16):
                    stripe_v[r, pl.ds(j * 16, 16)] = val
            return carry2

        lax.fori_loop(0, H // 16, fill_chunk, 0)
        pltpu.async_copy(stripe_v, out.at[c2, :, pl.ds(0, STRIPE_W)], sem_h0)
        pltpu.async_copy(
            stripe_v, out.at[c2, :, pl.ds(STRIPE_W, STRIPE_W)], sem_h1)

        def drain_rep(d, carry2):
            pltpu.make_async_copy(
                rep_v, out.at[c1, pl.ds(d * REP_ROWS, REP_ROWS)], sem_r
            ).wait()
            return carry2

        lax.fori_loop(0, NREP, drain_rep, 0)
        return carry

    lax.fori_loop(0, CPW, plane_pair, 0)
    c2last = HALF + wid * CPW + CPW - 1
    pltpu.make_async_copy(
        stripe_v, out.at[c2last, :, pl.ds(0, STRIPE_W)], sem_h0).wait()
    pltpu.make_async_copy(
        stripe_v, out.at[c2last, :, pl.ds(STRIPE_W, STRIPE_W)], sem_h1).wait()


@jax.jit
def _pos_encode(tab):
    mesh = plsc.VectorSubcoreMesh(core_axis_name="c", subcore_axis_name="s")
    fn = functools.partial(
        pl.kernel,
        mesh=mesh,
        out_type=jax.ShapeDtypeStruct((D_MODEL, H, W), jnp.float32),
        scratch_types=[
            pltpu.VMEM((CPW * W,), jnp.float32),
            pltpu.VMEM((CPW * W,), jnp.float32),
            pltpu.VMEM((REP_ROWS, W), jnp.float32),
            pltpu.VMEM((H, STRIPE_W), jnp.float32),
            pltpu.SemaphoreType.DMA,
            pltpu.SemaphoreType.DMA,
            pltpu.SemaphoreType.DMA,
        ],
    )(_body)
    return fn(tab)


def kernel(x, row_w, col_w):
    h = min(x.shape[-2], row_w.shape[0])
    w = min(x.shape[-1], col_w.shape[0])
    assert (h, w) == (H, W) and row_w.shape[1] == HALF
    tab = jnp.concatenate([col_w[:w].T, row_w[:h].T], axis=0).reshape(-1)
    out = _pos_encode(tab)
    return out[None, ...]

# --- scband reference (transcript-rebuilt; emitter-appended) ---
"""Pipeline reference for scband-positional-encoding2-d-39161511805372 (READ-ONLY COPY).

The authoritative reference and input builder live on the scoring server;
editing this copy changes nothing except your own understanding.
"""

import jax, jax.numpy as jnp
import numpy as np

D_MODEL = 768
MAX_H = 256
MAX_W = 256

def setup_inputs(seed: int = 0) -> dict:
    key = jax.random.key(seed)
    k1, k2, k3 = jax.random.split(key, 3)
    x = jax.random.normal(k1, (1, D_MODEL, 256, 256), dtype=jnp.float32)
    row_w = jax.random.uniform(k2, (MAX_H, D_MODEL // 2), dtype=jnp.float32)
    col_w = jax.random.uniform(k3, (MAX_W, D_MODEL // 2), dtype=jnp.float32)
    return {"x": x, "row_w": row_w, "col_w": col_w}

def reference(x, row_w, col_w):
    h = min(x.shape[-2], row_w.shape[0])
    w = min(x.shape[-1], col_w.shape[0])
    i = jnp.arange(w)
    j = jnp.arange(h)
    x_emb = jnp.take(col_w, i, axis=0)  # [w, d/2]
    y_emb = jnp.take(row_w, j, axis=0)  # [h, d/2]
    d2 = x_emb.shape[-1]
    pos = jnp.concatenate([
        jnp.broadcast_to(x_emb[None, :, :], (h, w, d2)),
        jnp.broadcast_to(y_emb[:, None, :], (h, w, d2)),
    ], axis=-1)  # [h, w, d_model]
    return jnp.transpose(pos, (2, 0, 1))[None, ...]  # [1, d_model, h, w]

if __name__ == "__main__":
    import jax
    _d = setup_inputs()
    print(jax.jit(kernel)(*tuple(_d.values())))

</pallas_src>

<mosaic_0001>
#map = affine_map<(d0, d1) -> (0)>
#map1 = affine_map<(d0, d1) -> (0, 0, 0)>
module attributes {stable_mosaic.version = 14 : i64} {
  func.func @_body(%arg0: i32, %arg1: i32, %arg2: memref<196608xf32, #tpu.memory_space<hbm>>, %arg3: memref<768x256x256xf32, #tpu.memory_space<hbm>>, %arg4: memref<3072xf32, #tpu.memory_space<vmem>>, %arg5: memref<3072xf32, #tpu.memory_space<vmem>>, %arg6: memref<8x256xf32, #tpu.memory_space<vmem>>, %arg7: memref<256x128xf32, #tpu.memory_space<vmem>>, %arg8: memref<!tpu.dma_semaphore, #tpu.memory_space<semaphore_mem>>, %arg9: memref<!tpu.dma_semaphore, #tpu.memory_space<semaphore_mem>>, %arg10: memref<!tpu.dma_semaphore, #tpu.memory_space<semaphore_mem>>) attributes {dimension_semantics = [#tpu.dimension_semantics<core_parallel>, #tpu.dimension_semantics<subcore_parallel>], iteration_bounds = array<i64: 2, 16>, scalar_prefetch = 0 : i64, scratch_operands = 7 : i64, tpu.core_type = #tpu.core_type<sc_vector_subcore>, window_params = [{transform_indices = #map}, {transform_indices = #map1}]} {
    %mul3A = arith.constant 2 : i32
    %mul3A_0 = arith.muli %arg1, %mul3A : i32
    %add3A = arith.addi %mul3A_0, %arg0 : i32
    %mul3A_1 = arith.constant 12 : i32
    %mul3A_2 = arith.muli %add3A, %mul3A_1 : i32
    %mul3A_3 = arith.constant 256 : i32
    %mul3A_4 = arith.muli %mul3A_2, %mul3A_3 : i32
    "tpu.region"() ({
      %run_scoped3A = tpu.sem_alloc : memref<!tpu.dma_semaphore, #tpu.memory_space<semaphore_mem>>
      %dma_start3A = tpu.memref_slice %arg2[%mul3A_4] : memref<196608xf32, #tpu.memory_space<hbm>> -> memref<3072xf32, #tpu.memory_space<hbm>>
      %dma_start3A_38 = tpu.memref_slice %arg2[%mul3A_4] : memref<196608xf32, #tpu.memory_space<hbm>> -> memref<3072xf32, #tpu.memory_space<hbm>>
      tpu.enqueue_dma source(%dma_start3A_38 : memref<3072xf32, #tpu.memory_space<hbm>>) target(%arg4 : memref<3072xf32, #tpu.memory_space<vmem>>) target_semaphore(%run_scoped3A : memref<!tpu.dma_semaphore, #tpu.memory_space<semaphore_mem>>)
      %dma_wait3A_39 = tpu.memref_slice %arg2[%mul3A_4] : memref<196608xf32, #tpu.memory_space<hbm>> -> memref<3072xf32, #tpu.memory_space<hbm>>
      %dma_wait3A_40 = tpu.memref_slice %arg2[%mul3A_4] : memref<196608xf32, #tpu.memory_space<hbm>> -> memref<3072xf32, #tpu.memory_space<hbm>>
      tpu.wait_dma2 semaphore(%run_scoped3A : memref<!tpu.dma_semaphore, #tpu.memory_space<semaphore_mem>>) src(%dma_wait3A_40 : memref<3072xf32, #tpu.memory_space<hbm>>) dst(%arg4 : memref<3072xf32, #tpu.memory_space<vmem>>)
      tpu.yield
    }) : () -> ()
    %mul3A_5 = arith.constant 12 : i32
    %mul3A_6 = arith.muli %add3A, %mul3A_5 : i32
    %add3A_7 = arith.constant 384 : i32
    %add3A_8 = arith.addi %add3A_7, %mul3A_6 : i32
    %mul3A_9 = arith.constant 256 : i32
    %mul3A_10 = arith.muli %add3A_8, %mul3A_9 : i32
    "tpu.region"() ({
      %run_scoped3A = tpu.sem_alloc : memref<!tpu.dma_semaphore, #tpu.memory_space<semaphore_mem>>
      %dma_start3A = tpu.memref_slice %arg2[%mul3A_10] : memref<196608xf32, #tpu.memory_space<hbm>> -> memref<3072xf32, #tpu.memory_space<hbm>>
      %dma_start3A_38 = tpu.memref_slice %arg2[%mul3A_10] : memref<196608xf32, #tpu.memory_space<hbm>> -> memref<3072xf32, #tpu.memory_space<hbm>>
      tpu.enqueue_dma source(%dma_start3A_38 : memref<3072xf32, #tpu.memory_space<hbm>>) target(%arg5 : memref<3072xf32, #tpu.memory_space<vmem>>) target_semaphore(%run_scoped3A : memref<!tpu.dma_semaphore, #tpu.memory_space<semaphore_mem>>)
      %dma_wait3A_39 = tpu.memref_slice %arg2[%mul3A_10] : memref<196608xf32, #tpu.memory_space<hbm>> -> memref<3072xf32, #tpu.memory_space<hbm>>
      %dma_wait3A_40 = tpu.memref_slice %arg2[%mul3A_10] : memref<196608xf32, #tpu.memory_space<hbm>> -> memref<3072xf32, #tpu.memory_space<hbm>>
      tpu.wait_dma2 semaphore(%run_scoped3A : memref<!tpu.dma_semaphore, #tpu.memory_space<semaphore_mem>>) src(%dma_wait3A_40 : memref<3072xf32, #tpu.memory_space<hbm>>) dst(%arg5 : memref<3072xf32, #tpu.memory_space<vmem>>)
      tpu.yield
    }) : () -> ()
    %scan3A = arith.constant 0 : i32
    %scan3A_11 = arith.constant 0 : i32
    %scan3A_12 = arith.constant 12 : i32
    %scan3A_13 = arith.addi %scan3A_11, %scan3A_12 : i32
    %scan3A_14 = arith.constant 1 : i32
    scf.for %scan3A_38 = %scan3A_11 to %scan3A_13 step %scan3A_14  : i32 {
      %mul3A_39 = arith.constant 12 : i32
      %mul3A_40 = arith.muli %add3A, %mul3A_39 : i32
      %add3A_41 = arith.addi %mul3A_40, %scan3A_38 : i32
      %mul3A_42 = arith.constant 12 : i32
      %mul3A_43 = arith.muli %add3A, %mul3A_42 : i32
      %add3A_44 = arith.constant 384 : i32
      %add3A_45 = arith.addi %add3A_44, %mul3A_43 : i32
      %add3A_46 = arith.addi %add3A_45, %scan3A_38 : i32
      %mul3A_47 = arith.constant 256 : i32
      %mul3A_48 = arith.muli %scan3A_38, %mul3A_47 : i32
      %add3A_49 = arith.constant 0 : i32
      %add3A_50 = arith.addi %mul3A_48, %add3A_49 : i32
      %get3A = arith.index_cast %add3A_50 : i32 to index
      %get3A_51 = tpu.vector_load %arg4[%get3A] {strides = array<i32>} : memref<3072xf32, #tpu.memory_space<vmem>>, vector<16xf32>,
      %get3A_52 = vector.shape_cast %get3A_51 : vector<16xf32> to vector<16xf32>
      %mul3A_53 = arith.constant 256 : i32
      %mul3A_54 = arith.muli %scan3A_38, %mul3A_53 : i32
      %add3A_55 = arith.constant 16 : i32
      %add3A_56 = arith.addi %mul3A_54, %add3A_55 : i32
      %get3A_57 = arith.index_cast %add3A_56 : i32 to index
      %get3A_58 = tpu.vector_load %arg4[%get3A_57] {strides = array<i32>} : memref<3072xf32, #tpu.memory_space<vmem>>, vector<16xf32>,
      %get3A_59 = vector.shape_cast %get3A_58 : vector<16xf32> to vector<16xf32>
      %mul3A_60 = arith.constant 256 : i32
      %mul3A_61 = arith.muli %scan3A_38, %mul3A_60 : i32
      %add3A_62 = arith.constant 32 : i32
      %add3A_63 = arith.addi %mul3A_61, %add3A_62 : i32
      %get3A_64 = arith.index_cast %add3A_63 : i32 to index
      %get3A_65 = tpu.vector_load %arg4[%get3A_64] {strides = array<i32>} : memref<3072xf32, #tpu.memory_space<vmem>>, vector<16xf32>,
      %get3A_66 = vector.shape_cast %get3A_65 : vector<16xf32> to vector<16xf32>
      %mul3A_67 = arith.constant 256 : i32
      %mul3A_68 = arith.muli %scan3A_38, %mul3A_67 : i32
      %add3A_69 = arith.constant 48 : i32
      %add3A_70 = arith.addi %mul3A_68, %add3A_69 : i32
      %get3A_71 = arith.index_cast %add3A_70 : i32 to index
      %get3A_72 = tpu.vector_load %arg4[%get3A_71] {strides = array<i32>} : memref<3072xf32, #tpu.memory_space<vmem>>, vector<16xf32>,
      %get3A_73 = vector.shape_cast %get3A_72 : vector<16xf32> to vector<16xf32>
      %mul3A_74 = arith.constant 256 : i32
      %mul3A_75 = arith.muli %scan3A_38, %mul3A_74 : i32
      %add3A_76 = arith.constant 64 : i32
      %add3A_77 = arith.addi %mul3A_75, %add3A_76 : i32
      %get3A_78 = arith.index_cast %add3A_77 : i32 to index
      %get3A_79 = tpu.vector_load %arg4[%get3A_78] {strides = array<i32>} : memref<3072xf32, #tpu.memory_space<vmem>>, vector<16xf32>,
      %get3A_80 = vector.shape_cast %get3A_79 : vector<16xf32> to vector<16xf32>
      %mul3A_81 = arith.constant 256 : i32
      %mul3A_82 = arith.muli %scan3A_38, %mul3A_81 : i32
      %add3A_83 = arith.constant 80 : i32
      %add3A_84 = arith.addi %mul3A_82, %add3A_83 : i32
      %get3A_85 = arith.index_cast %add3A_84 : i32 to index
      %get3A_86 = tpu.vector_load %arg4[%get3A_85] {strides = array<i32>} : memref<3072xf32, #tpu.memory_space<vmem>>, vector<16xf32>,
      %get3A_87 = vector.shape_cast %get3A_86 : vector<16xf32> to vector<16xf32>
      %mul3A_88 = arith.constant 256 : i32
      %mul3A_89 = arith.muli %scan3A_38, %mul3A_88 : i32
      %add3A_90 = arith.constant 96 : i32
      %add3A_91 = arith.addi %mul3A_89, %add3A_90 : i32
      %get3A_92 = arith.index_cast %add3A_91 : i32 to index
      %get3A_93 = tpu.vector_load %arg4[%get3A_92] {strides = array<i32>} : memref<3072xf32, #tpu.memory_space<vmem>>, vector<16xf32>,
      %get3A_94 = vector.shape_cast %get3A_93 : vector<16xf32> to vector<16xf32>
      %mul3A_95 = arith.constant 256 : i32
      %mul3A_96 = arith.muli %scan3A_38, %mul3A_95 : i32
      %add3A_97 = arith.constant 112 : i32
      %add3A_98 = arith.addi %mul3A_96, %add3A_97 : i32
      %get3A_99 = arith.index_cast %add3A_98 : i32 to index
      %get3A_100 = tpu.vector_load %arg4[%get3A_99] {strides = array<i32>} : memref<3072xf32, #tpu.memory_space<vmem>>, vector<16xf32>,
      %get3A_101 = vector.shape_cast %get3A_100 : vector<16xf32> to vector<16xf32>
      %mul3A_102 = arith.constant 256 : i32
      %mul3A_103 = arith.muli %scan3A_38, %mul3A_102 : i32
      %add3A_104 = arith.constant 128 : i32
      %add3A_105 = arith.addi %mul3A_103, %add3A_104 : i32
      %get3A_106 = arith.index_cast %add3A_105 : i32 to index
      %get3A_107 = tpu.vector_load %arg4[%get3A_106] {strides = array<i32>} : memref<3072xf32, #tpu.memory_space<vmem>>, vector<16xf32>,
      %get3A_108 = vector.shape_cast %get3A_107 : vector<16xf32> to vector<16xf32>
      %mul3A_109 = arith.constant 256 : i32
      %mul3A_110 = arith.muli %scan3A_38, %mul3A_109 : i32
      %add3A_111 = arith.constant 144 : i32
      %add3A_112 = arith.addi %mul3A_110, %add3A_111 : i32
      %get3A_113 = arith.index_cast %add3A_112 : i32 to index
      %get3A_114 = tpu.vector_load %arg4[%get3A_113] {strides = array<i32>} : memref<3072xf32, #tpu.memory_space<vmem>>, vector<16xf32>,
      %get3A_115 = vector.shape_cast %get3A_114 : vector<16xf32> to vector<16xf32>
      %mul3A_116 = arith.constant 256 : i32
      %mul3A_117 = arith.muli %scan3A_38, %mul3A_116 : i32
      %add3A_118 = arith.constant 160 : i32
      %add3A_119 = arith.addi %mul3A_117, %add3A_118 : i32
      %get3A_120 = arith.index_cast %add3A_119 : i32 to index
      %get3A_121 = tpu.vector_load %arg4[%get3A_120] {strides = array<i32>} : memref<3072xf32, #tpu.memory_space<vmem>>, vector<16xf32>,
      %get3A_122 = vector.shape_cast %get3A_121 : vector<16xf32> to vector<16xf32>
      %mul3A_123 = arith.constant 256 : i32
      %mul3A_124 = arith.muli %scan3A_38, %mul3A_123 : i32
      %add3A_125 = arith.constant 176 : i32
      %add3A_126 = arith.addi %mul3A_124, %add3A_125 : i32
      %get3A_127 = arith.index_cast %add3A_126 : i32 to index
      %get3A_128 = tpu.vector_load %arg4[%get3A_127] {strides = array<i32>} : memref<3072xf32, #tpu.memory_space<vmem>>, vector<16xf32>,
      %get3A_129 = vector.shape_cast %get3A_128 : vector<16xf32> to vector<16xf32>
      %mul3A_130 = arith.constant 256 : i32
      %mul3A_131 = arith.muli %scan3A_38, %mul3A_130 : i32
      %add3A_132 = arith.constant 192 : i32
      %add3A_133 = arith.addi %mul3A_131, %add3A_132 : i32
      %get3A_134 = arith.index_cast %add3A_133 : i32 to index
      %get3A_135 = tpu.vector_load %arg4[%get3A_134] {strides = array<i32>} : memref<3072xf32, #tpu.memory_space<vmem>>, vector<16xf32>,
      %get3A_136 = vector.shape_cast %get3A_135 : vector<16xf32> to vector<16xf32>
      %mul3A_137 = arith.constant 256 : i32
      %mul3A_138 = arith.muli %scan3A_38, %mul3A_137 : i32
      %add3A_139 = arith.constant 208 : i32
      %add3A_140 = arith.addi %mul3A_138, %add3A_139 : i32
      %get3A_141 = arith.index_cast %add3A_140 : i32 to index
      %get3A_142 = tpu.vector_load %arg4[%get3A_141] {strides = array<i32>} : memref<3072xf32, #tpu.memory_space<vmem>>, vector<16xf32>,
      %get3A_143 = vector.shape_cast %get3A_142 : vector<16xf32> to vector<16xf32>
      %mul3A_144 = arith.constant 256 : i32
      %mul3A_145 = arith.muli %scan3A_38, %mul3A_144 : i32
      %add3A_146 = arith.constant 224 : i32
      %add3A_147 = arith.addi %mul3A_145, %add3A_146 : i32
      %get3A_148 = arith.index_cast %add3A_147 : i32 to index
      %get3A_149 = tpu.vector_load %arg4[%get3A_148] {strides = array<i32>} : memref<3072xf32, #tpu.memory_space<vmem>>, vector<16xf32>,
      %get3A_150 = vector.shape_cast %get3A_149 : vector<16xf32> to vector<16xf32>
      %mul3A_151 = arith.constant 256 : i32
      %mul3A_152 = arith.muli %scan3A_38, %mul3A_151 : i32
      %add3A_153 = arith.constant 240 : i32
      %add3A_154 = arith.addi %mul3A_152, %add3A_153 : i32
      %get3A_155 = arith.index_cast %add3A_154 : i32 to index
      %get3A_156 = tpu.vector_load %arg4[%get3A_155] {strides = array<i32>} : memref<3072xf32, #tpu.memory_space<vmem>>, vector<16xf32>,
      %get3A_157 = vector.shape_cast %get3A_156 : vector<16xf32> to vector<16xf32>
      %scan3A_158 = arith.constant 0 : i32
      %scan3A_159 = arith.constant 0 : i32
      %scan3A_160 = arith.constant 8 : i32
      %scan3A_161 = arith.addi %scan3A_159, %scan3A_160 : i32
      %scan3A_162 = arith.constant 1 : i32
      scf.for %scan3A_199 = %scan3A_159 to %scan3A_161 step %scan3A_162  : i32 {
        %swap3A = arith.index_cast %scan3A_199 : i32 to index
        %swap3A_200 = arith.constant 0 : index
        %swap3A_201 = tpu.vector_load %arg6[%swap3A, %swap3A_200] {strides = array<i32>} : memref<8x256xf32, #tpu.memory_space<vmem>>, vector<1x16xf32>,
        %swap3A_202 = vector.shape_cast %swap3A_201 : vector<1x16xf32> to vector<16xf32>
        %swap3A_203 = vector.shape_cast %get3A_52 : vector<16xf32> to vector<1x16xf32>
        tpu.vector_store %arg6[%swap3A, %swap3A_200], %swap3A_203 {strides = array<i32>} : memref<8x256xf32, #tpu.memory_space<vmem>>, vector<1x16xf32>,
        %swap3A_204 = arith.index_cast %scan3A_199 : i32 to index
        %swap3A_205 = arith.constant 16 : index
        %swap3A_206 = tpu.vector_load %arg6[%swap3A_204, %swap3A_205] {strides = array<i32>} : memref<8x256xf32, #tpu.memory_space<vmem>>, vector<1x16xf32>,
        %swap3A_207 = vector.shape_cast %swap3A_206 : vector<1x16xf32> to vector<16xf32>
        %swap3A_208 = vector.shape_cast %get3A_59 : vector<16xf32> to vector<1x16xf32>
        tpu.vector_store %arg6[%swap3A_204, %swap3A_205], %swap3A_208 {strides = array<i32>} : memref<8x256xf32, #tpu.memory_space<vmem>>, vector<1x16xf32>,
        %swap3A_209 = arith.index_cast %scan3A_199 : i32 to index
        %swap3A_210 = arith.constant 32 : index
        %swap3A_211 = tpu.vector_load %arg6[%swap3A_209, %swap3A_210] {strides = array<i32>} : memref<8x256xf32, #tpu.memory_space<vmem>>, vector<1x16xf32>,
        %swap3A_212 = vector.shape_cast %swap3A_211 : vector<1x16xf32> to vector<16xf32>
        %swap3A_213 = vector.shape_cast %get3A_66 : vector<16xf32> to vector<1x16xf32>
        tpu.vector_store %arg6[%swap3A_209, %swap3A_210], %swap3A_213 {strides = array<i32>} : memref<8x256xf32, #tpu.memory_space<vmem>>, vector<1x16xf32>,
        %swap3A_214 = arith.index_cast %scan3A_199 : i32 to index
        %swap3A_215 = arith.constant 48 : index
        %swap3A_216 = tpu.vector_load %arg6[%swap3A_214, %swap3A_215] {strides = array<i32>} : memref<8x256xf32, #tpu.memory_space<vmem>>, vector<1x16xf32>,
        %swap3A_217 = vector.shape_cast %swap3A_216 : vector<1x16xf32> to vector<16xf32>
        %swap3A_218 = vector.shape_cast %get3A_73 : vector<16xf32> to vector<1x16xf32>
        tpu.vector_store %arg6[%swap3A_214, %swap3A_215], %swap3A_218 {strides = array<i32>} : memref<8x256xf32, #tpu.memory_space<vmem>>, vector<1x16xf32>,
        %swap3A_219 = arith.index_cast %scan3A_199 : i32 to index
        %swap3A_220 = arith.constant 64 : index
        %swap3A_221 = tpu.vector_load %arg6[%swap3A_219, %swap3A_220] {strides = array<i32>} : memref<8x256xf32, #tpu.memory_space<vmem>>, vector<1x16xf32>,
        %swap3A_222 = vector.shape_cast %swap3A_221 : vector<1x16xf32> to vector<16xf32>
        %swap3A_223 = vector.shape_cast %get3A_80 : vector<16xf32> to vector<1x16xf32>
        tpu.vector_store %arg6[%swap3A_219, %swap3A_220], %swap3A_223 {strides = array<i32>} : memref<8x256xf32, #tpu.memory_space<vmem>>, vector<1x16xf32>,
        %swap3A_224 = arith.index_cast %scan3A_199 : i32 to index
        %swap3A_225 = arith.constant 80 : index
        %swap3A_226 = tpu.vector_load %arg6[%swap3A_224, %swap3A_225] {strides = array<i32>} : memref<8x256xf32, #tpu.memory_space<vmem>>, vector<1x16xf32>,
        %swap3A_227 = vector.shape_cast %swap3A_226 : vector<1x16xf32> to vector<16xf32>
        %swap3A_228 = vector.shape_cast %get3A_87 : vector<16xf32> to vector<1x16xf32>
        tpu.vector_store %arg6[%swap3A_224, %swap3A_225], %swap3A_228 {strides = array<i32>} : memref<8x256xf32, #tpu.memory_space<vmem>>, vector<1x16xf32>,
        %swap3A_229 = arith.index_cast %scan3A_199 : i32 to index
        %swap3A_230 = arith.constant 96 : index
        %swap3A_231 = tpu.vector_load %arg6[%swap3A_229, %swap3A_230] {strides = array<i32>} : memref<8x256xf32, #tpu.memory_space<vmem>>, vector<1x16xf32>,
        %swap3A_232 = vector.shape_cast %swap3A_231 : vector<1x16xf32> to vector<16xf32>
        %swap3A_233 = vector.shape_cast %get3A_94 : vector<16xf32> to vector<1x16xf32>
        tpu.vector_store %arg6[%swap3A_229, %swap3A_230], %swap3A_233 {strides = array<i32>} : memref<8x256xf32, #tpu.memory_space<vmem>>, vector<1x16xf32>,
        %swap3A_234 = arith.index_cast %scan3A_199 : i32 to index
        %swap3A_235 = arith.constant 112 : index
        %swap3A_236 = tpu.vector_load %arg6[%swap3A_234, %swap3A_235] {strides = array<i32>} : memref<8x256xf32, #tpu.memory_space<vmem>>, vector<1x16xf32>,
        %swap3A_237 = vector.shape_cast %swap3A_236 : vector<1x16xf32> to vector<16xf32>
        %swap3A_238 = vector.shape_cast %get3A_101 : vector<16xf32> to vector<1x16xf32>
        tpu.vector_store %arg6[%swap3A_234, %swap3A_235], %swap3A_238 {strides = array<i32>} : memref<8x256xf32, #tpu.memory_space<vmem>>, vector<1x16xf32>,
        %swap3A_239 = arith.index_cast %scan3A_199 : i32 to index
        %swap3A_240 = arith.constant 128 : index
        %swap3A_241 = tpu.vector_load %arg6[%swap3A_239, %swap3A_240] {strides = array<i32>} : memref<8x256xf32, #tpu.memory_space<vmem>>, vector<1x16xf32>,
        %swap3A_242 = vector.shape_cast %swap3A_241 : vector<1x16xf32> to vector<16xf32>
        %swap3A_243 = vector.shape_cast %get3A_108 : vector<16xf32> to vector<1x16xf32>
        tpu.vector_store %arg6[%swap3A_239, %swap3A_240], %swap3A_243 {strides = array<i32>} : memref<8x256xf32, #tpu.memory_space<vmem>>, vector<1x16xf32>,
        %swap3A_244 = arith.index_cast %scan3A_199 : i32 to index
        %swap3A_245 = arith.constant 144 : index
        %swap3A_246 = tpu.vector_load %arg6[%swap3A_244, %swap3A_245] {strides = array<i32>} : memref<8x256xf32, #tpu.memory_space<vmem>>, vector<1x16xf32>,
        %swap3A_247 = vector.shape_cast %swap3A_246 : vector<1x16xf32> to vector<16xf32>
        %swap3A_248 = vector.shape_cast %get3A_115 : vector<16xf32> to vector<1x16xf32>
        tpu.vector_store %arg6[%swap3A_244, %swap3A_245], %swap3A_248 {strides = array<i32>} : memref<8x256xf32, #tpu.memory_space<vmem>>, vector<1x16xf32>,
        %swap3A_249 = arith.index_cast %scan3A_199 : i32 to index
        %swap3A_250 = arith.constant 160 : index
        %swap3A_251 = tpu.vector_load %arg6[%swap3A_249, %swap3A_250] {strides = array<i32>} : memref<8x256xf32, #tpu.memory_space<vmem>>, vector<1x16xf32>,
        %swap3A_252 = vector.shape_cast %swap3A_251 : vector<1x16xf32> to vector<16xf32>
        %swap3A_253 = vector.shape_cast %get3A_122 : vector<16xf32> to vector<1x16xf32>
        tpu.vector_store %arg6[%swap3A_249, %swap3A_250], %swap3A_253 {strides = array<i32>} : memref<8x256xf32, #tpu.memory_space<vmem>>, vector<1x16xf32>,
        %swap3A_254 = arith.index_cast %scan3A_199 : i32 to index
        %swap3A_255 = arith.constant 176 : index
        %swap3A_256 = tpu.vector_load %arg6[%swap3A_254, %swap3A_255] {strides = array<i32>} : memref<8x256xf32, #tpu.memory_space<vmem>>, vector<1x16xf32>,
        %swap3A_257 = vector.shape_cast %swap3A_256 : vector<1x16xf32> to vector<16xf32>
        %swap3A_258 = vector.shape_cast %get3A_129 : vector<16xf32> to vector<1x16xf32>
        tpu.vector_store %arg6[%swap3A_254, %swap3A_255], %swap3A_258 {strides = array<i32>} : memref<8x256xf32, #tpu.memory_space<vmem>>, vector<1x16xf32>,
        %swap3A_259 = arith.index_cast %scan3A_199 : i32 to index
        %swap3A_260 = arith.constant 192 : index
        %swap3A_261 = tpu.vector_load %arg6[%swap3A_259, %swap3A_260] {strides = array<i32>} : memref<8x256xf32, #tpu.memory_space<vmem>>, vector<1x16xf32>,
        %swap3A_262 = vector.shape_cast %swap3A_261 : vector<1x16xf32> to vector<16xf32>
        %swap3A_263 = vector.shape_cast %get3A_136 : vector<16xf32> to vector<1x16xf32>
        tpu.vector_store %arg6[%swap3A_259, %swap3A_260], %swap3A_263 {strides = array<i32>} : memref<8x256xf32, #tpu.memory_space<vmem>>, vector<1x16xf32>,
        %swap3A_264 = arith.index_cast %scan3A_199 : i32 to index
        %swap3A_265 = arith.constant 208 : index
        %swap3A_266 = tpu.vector_load %arg6[%swap3A_264, %swap3A_265] {strides = array<i32>} : memref<8x256xf32, #tpu.memory_space<vmem>>, vector<1x16xf32>,
        %swap3A_267 = vector.shape_cast %swap3A_266 : vector<1x16xf32> to vector<16xf32>
        %swap3A_268 = vector.shape_cast %get3A_143 : vector<16xf32> to vector<1x16xf32>
        tpu.vector_store %arg6[%swap3A_264, %swap3A_265], %swap3A_268 {strides = array<i32>} : memref<8x256xf32, #tpu.memory_space<vmem>>, vector<1x16xf32>,
        %swap3A_269 = arith.index_cast %scan3A_199 : i32 to index
        %swap3A_270 = arith.constant 224 : index
        %swap3A_271 = tpu.vector_load %arg6[%swap3A_269, %swap3A_270] {strides = array<i32>} : memref<8x256xf32, #tpu.memory_space<vmem>>, vector<1x16xf32>,
        %swap3A_272 = vector.shape_cast %swap3A_271 : vector<1x16xf32> to vector<16xf32>
        %swap3A_273 = vector.shape_cast %get3A_150 : vector<16xf32> to vector<1x16xf32>
        tpu.vector_store %arg6[%swap3A_269, %swap3A_270], %swap3A_273 {strides = array<i32>} : memref<8x256xf32, #tpu.memory_space<vmem>>, vector<1x16xf32>,
        %swap3A_274 = arith.index_cast %scan3A_199 : i32 to index
        %swap3A_275 = arith.constant 240 : index
        %swap3A_276 = tpu.vector_load %arg6[%swap3A_274, %swap3A_275] {strides = array<i32>} : memref<8x256xf32, #tpu.memory_space<vmem>>, vector<1x16xf32>,
        %swap3A_277 = vector.shape_cast %swap3A_276 : vector<1x16xf32> to vector<16xf32>
        %swap3A_278 = vector.shape_cast %get3A_157 : vector<16xf32> to vector<1x16xf32>
        tpu.vector_store %arg6[%swap3A_274, %swap3A_275], %swap3A_278 {strides = array<i32>} : memref<8x256xf32, #tpu.memory_space<vmem>>, vector<1x16xf32>,
      }
      %scan3A_163 = arith.constant 8 : i32
      %gt3A = arith.constant 0 : i32
      %gt3A_164 = arith.cmpi sgt, %scan3A_38, %gt3A : i32
      %convert_element_type3A = arith.extui %gt3A_164 : i1 to i32
      %cond3A = arith.constant 0 : i32
      %cond3A_165 = arith.cmpi ne, %convert_element_type3A, %cond3A : i32
      scf.if %cond3A_165 {
        %sub3A_199 = arith.constant 1 : i32
        %sub3A_200 = arith.subi %add3A_46, %sub3A_199 : i32
        %dma_wait3A_201 = arith.constant 0 : i32
        %dma_wait3A_202 = arith.constant 0 : i32
        %dma_wait3A_203 = tpu.memref_slice %arg3[%sub3A_200, %dma_wait3A_201, %dma_wait3A_202] : memref<768x256x256xf32, #tpu.memory_space<hbm>> -> memref<1x256x128xf32, #tpu.memory_space<hbm>>
        %dma_wait3A_204 = tpu.memref_squeeze %dma_wait3A_203 : memref<1x256x128xf32, #tpu.memory_space<hbm>> -> memref<256x128xf32, #tpu.memory_space<hbm>>
        %dma_wait3A_205 = arith.constant 0 : i32
        %dma_wait3A_206 = arith.constant 0 : i32
        %dma_wait3A_207 = tpu.memref_slice %arg3[%sub3A_200, %dma_wait3A_205, %dma_wait3A_206] : memref<768x256x256xf32, #tpu.memory_space<hbm>> -> memref<1x256x128xf32, #tpu.memory_space<hbm>>
        %dma_wait3A_208 = tpu.memref_squeeze %dma_wait3A_207 : memref<1x256x128xf32, #tpu.memory_space<hbm>> -> memref<256x128xf32, #tpu.memory_space<hbm>>
        tpu.wait_dma2 semaphore(%arg9 : memref<!tpu.dma_semaphore, #tpu.memory_space<semaphore_mem>>) src(%arg7 : memref<256x128xf32, #tpu.memory_space<vmem>>) dst(%dma_wait3A_208 : memref<256x128xf32, #tpu.memory_space<hbm>>)
        %dma_wait3A_209 = arith.constant 0 : i32
        %dma_wait3A_210 = arith.constant 128 : i32
        %dma_wait3A_211 = tpu.memref_slice %arg3[%sub3A_200, %dma_wait3A_209, %dma_wait3A_210] : memref<768x256x256xf32, #tpu.memory_space<hbm>> -> memref<1x256x128xf32, #tpu.memory_space<hbm>>
        %dma_wait3A_212 = tpu.memref_squeeze %dma_wait3A_211 : memref<1x256x128xf32, #tpu.memory_space<hbm>> -> memref<256x128xf32, #tpu.memory_space<hbm>>
        %dma_wait3A_213 = arith.constant 0 : i32
        %dma_wait3A_214 = arith.constant 128 : i32
        %dma_wait3A_215 = tpu.memref_slice %arg3[%sub3A_200, %dma_wait3A_213, %dma_wait3A_214] : memref<768x256x256xf32, #tpu.memory_space<hbm>> -> memref<1x256x128xf32, #tpu.memory_space<hbm>>
        %dma_wait3A_216 = tpu.memref_squeeze %dma_wait3A_215 : memref<1x256x128xf32, #tpu.memory_space<hbm>> -> memref<256x128xf32, #tpu.memory_space<hbm>>
        tpu.wait_dma2 semaphore(%arg10 : memref<!tpu.dma_semaphore, #tpu.memory_space<semaphore_mem>>) src(%arg7 : memref<256x128xf32, #tpu.memory_space<vmem>>) dst(%dma_wait3A_216 : memref<256x128xf32, #tpu.memory_space<hbm>>)
      } else {
      }
      %scan3A_166 = arith.constant 0 : i32
      %scan3A_167 = arith.constant 0 : i32
      %scan3A_168 = arith.constant 32 : i32
      %scan3A_169 = arith.addi %scan3A_167, %scan3A_168 : i32
      %scan3A_170 = arith.constant 1 : i32
      scf.for %scan3A_199 = %scan3A_167 to %scan3A_169 step %scan3A_170  : i32 {
        %mul3A_200 = arith.constant 8 : i32
        %mul3A_201 = arith.muli %scan3A_199, %mul3A_200 : i32
        %dma_start3A_202 = arith.constant 0 : i32
        %dma_start3A_203 = tpu.memref_slice %arg3[%add3A_41, %mul3A_201, %dma_start3A_202] : memref<768x256x256xf32, #tpu.memory_space<hbm>> -> memref<1x8x256xf32, #tpu.memory_space<hbm>>
        %dma_start3A_204 = tpu.memref_squeeze %dma_start3A_203 : memref<1x8x256xf32, #tpu.memory_space<hbm>> -> memref<8x256xf32, #tpu.memory_space<hbm>>
        %dma_start3A_205 = arith.constant 0 : i32
        %dma_start3A_206 = tpu.memref_slice %arg3[%add3A_41, %mul3A_201, %dma_start3A_205] : memref<768x256x256xf32, #tpu.memory_space<hbm>> -> memref<1x8x256xf32, #tpu.memory_space<hbm>>
        %dma_start3A_207 = tpu.memref_squeeze %dma_start3A_206 : memref<1x8x256xf32, #tpu.memory_space<hbm>> -> memref<8x256xf32, #tpu.memory_space<hbm>>
        tpu.enqueue_dma source(%arg6 : memref<8x256xf32, #tpu.memory_space<vmem>>) target(%dma_start3A_207 : memref<8x256xf32, #tpu.memory_space<hbm>>) target_semaphore(%arg8 : memref<!tpu.dma_semaphore, #tpu.memory_space<semaphore_mem>>)
      }
      %scan3A_171 = arith.constant 32 : i32
      %scan3A_172 = arith.constant 0 : i32
      %scan3A_173 = arith.constant 0 : i32
      %scan3A_174 = arith.constant 16 : i32
      %scan3A_175 = arith.addi %scan3A_173, %scan3A_174 : i32
      %scan3A_176 = arith.constant 1 : i32
      scf.for %scan3A_199 = %scan3A_173 to %scan3A_175 step %scan3A_176  : i32 {
        %mul3A_200 = arith.constant 256 : i32
        %mul3A_201 = arith.muli %scan3A_38, %mul3A_200 : i32
        %mul3A_202 = arith.constant 16 : i32
        %mul3A_203 = arith.muli %scan3A_199, %mul3A_202 : i32
        %add3A_204 = arith.addi %mul3A_201, %mul3A_203 : i32
        %get3A_205 = arith.index_cast %add3A_204 : i32 to index
        %get3A_206 = tpu.vector_load %arg5[%get3A_205] {strides = array<i32>} : memref<3072xf32, #tpu.memory_space<vmem>>, vector<16xf32>,
        %get3A_207 = vector.shape_cast %get3A_206 : vector<16xf32> to vector<16xf32>
        %slice3A = vector.extract_strided_slice %get3A_207 {offsets = [0], sizes = [1], strides = [1]} : vector<16xf32> to vector<1xf32>
        %squeeze3A = vector.extract %slice3A[0] : f32 from vector<1xf32>
        %broadcast_in_dim3A = vector.broadcast %squeeze3A : f32 to vector<16xf32>
        %mul3A_208 = arith.constant 16 : i32
        %mul3A_209 = arith.muli %scan3A_199, %mul3A_208 : i32
        %add3A_210 = arith.constant 0 : i32
        %add3A_211 = arith.addi %mul3A_209, %add3A_210 : i32
        %swap3A = arith.index_cast %add3A_211 : i32 to index
        %swap3A_212 = arith.constant 0 : index
        %swap3A_213 = tpu.vector_load %arg7[%swap3A, %swap3A_212] {strides = array<i32>} : memref<256x128xf32, #tpu.memory_space<vmem>>, vector<1x16xf32>,
        %swap3A_214 = vector.shape_cast %swap3A_213 : vector<1x16xf32> to vector<16xf32>
        %swap3A_215 = vector.shape_cast %broadcast_in_dim3A : vector<16xf32> to vector<1x16xf32>
        tpu.vector_store %arg7[%swap3A, %swap3A_212], %swap3A_215 {strides = array<i32>} : memref<256x128xf32, #tpu.memory_space<vmem>>, vector<1x16xf32>,
        %swap3A_216 = arith.index_cast %add3A_211 : i32 to index
        %swap3A_217 = arith.constant 16 : index
        %swap3A_218 = tpu.vector_load %arg7[%swap3A_216, %swap3A_217] {strides = array<i32>} : memref<256x128xf32, #tpu.memory_space<vmem>>, vector<1x16xf32>,
        %swap3A_219 = vector.shape_cast %swap3A_218 : vector<1x16xf32> to vector<16xf32>
        %swap3A_220 = vector.shape_cast %broadcast_in_dim3A : vector<16xf32> to vector<1x16xf32>
        tpu.vector_store %arg7[%swap3A_216, %swap3A_217], %swap3A_220 {strides = array<i32>} : memref<256x128xf32, #tpu.memory_space<vmem>>, vector<1x16xf32>,
        %swap3A_221 = arith.index_cast %add3A_211 : i32 to index
        %swap3A_222 = arith.constant 32 : index
        %swap3A_223 = tpu.vector_load %arg7[%swap3A_221, %swap3A_222] {strides = array<i32>} : memref<256x128xf32, #tpu.memory_space<vmem>>, vector<1x16xf32>,
        %swap3A_224 = vector.shape_cast %swap3A_223 : vector<1x16xf32> to vector<16xf32>
        %swap3A_225 = vector.shape_cast %broadcast_in_dim3A : vector<16xf32> to vector<1x16xf32>
        tpu.vector_store %arg7[%swap3A_221, %swap3A_222], %swap3A_225 {strides = array<i32>} : memref<256x128xf32, #tpu.memory_space<vmem>>, vector<1x16xf32>,
        %swap3A_226 = arith.index_cast %add3A_211 : i32 to index
        %swap3A_227 = arith.constant 48 : index
        %swap3A_228 = tpu.vector_load %arg7[%swap3A_226, %swap3A_227] {strides = array<i32>} : memref<256x128xf32, #tpu.memory_space<vmem>>, vector<1x16xf32>,
        %swap3A_229 = vector.shape_cast %swap3A_228 : vector<1x16xf32> to vector<16xf32>
        %swap3A_230 = vector.shape_cast %broadcast_in_dim3A : vector<16xf32> to vector<1x16xf32>
        tpu.vector_store %arg7[%swap3A_226, %swap3A_227], %swap3A_230 {strides = array<i32>} : memref<256x128xf32, #tpu.memory_space<vmem>>, vector<1x16xf32>,
        %swap3A_231 = arith.index_cast %add3A_211 : i32 to index
        %swap3A_232 = arith.constant 64 : index
        %swap3A_233 = tpu.vector_load %arg7[%swap3A_231, %swap3A_232] {strides = array<i32>} : memref<256x128xf32, #tpu.memory_space<vmem>>, vector<1x16xf32>,
        %swap3A_234 = vector.shape_cast %swap3A_233 : vector<1x16xf32> to vector<16xf32>
        %swap3A_235 = vector.shape_cast %broadcast_in_dim3A : vector<16xf32> to vector<1x16xf32>
        tpu.vector_store %arg7[%swap3A_231, %swap3A_232], %swap3A_235 {strides = array<i32>} : memref<256x128xf32, #tpu.memory_space<vmem>>, vector<1x16xf32>,
        %swap3A_236 = arith.index_cast %add3A_211 : i32 to index
        %swap3A_237 = arith.constant 80 : index
        %swap3A_238 = tpu.vector_load %arg7[%swap3A_236, %swap3A_237] {strides = array<i32>} : memref<256x128xf32, #tpu.memory_space<vmem>>, vector<1x16xf32>,
        %swap3A_239 = vector.shape_cast %swap3A_238 : vector<1x16xf32> to vector<16xf32>
        %swap3A_240 = vector.shape_cast %broadcast_in_dim3A : vector<16xf32> to vector<1x16xf32>
        tpu.vector_store %arg7[%swap3A_236, %swap3A_237], %swap3A_240 {strides = array<i32>} : memref<256x128xf32, #tpu.memory_space<vmem>>, vector<1x16xf32>,
        %swap3A_241 = arith.index_cast %add3A_211 : i32 to index
        %swap3A_242 = arith.constant 96 : index
        %swap3A_243 = tpu.vector_load %arg7[%swap3A_241, %swap3A_242] {strides = array<i32>} : memref<256x128xf32, #tpu.memory_space<vmem>>, vector<1x16xf32>,
        %swap3A_244 = vector.shape_cast %swap3A_243 : vector<1x16xf32> to vector<16xf32>
        %swap3A_245 = vector.shape_cast %broadcast_in_dim3A : vector<16xf32> to vector<1x16xf32>
        tpu.vector_store %arg7[%swap3A_241, %swap3A_242], %swap3A_245 {strides = array<i32>} : memref<256x128xf32, #tpu.memory_space<vmem>>, vector<1x16xf32>,
        %swap3A_246 = arith.index_cast %add3A_211 : i32 to index
        %swap3A_247 = arith.constant 112 : index
        %swap3A_248 = tpu.vector_load %arg7[%swap3A_246, %swap3A_247] {strides = array<i32>} : memref<256x128xf32, #tpu.memory_space<vmem>>, vector<1x16xf32>,
        %swap3A_249 = vector.shape_cast %swap3A_248 : vector<1x16xf32> to vector<16xf32>
        %swap3A_250 = vector.shape_cast %broadcast_in_dim3A : vector<16xf32> to vector<1x16xf32>
        tpu.vector_store %arg7[%swap3A_246, %swap3A_247], %swap3A_250 {strides = array<i32>} : memref<256x128xf32, #tpu.memory_space<vmem>>, vector<1x16xf32>,
        %slice3A_251 = vector.extract_strided_slice %get3A_207 {offsets = [1], sizes = [1], strides = [1]} : vector<16xf32> to vector<1xf32>
        %squeeze3A_252 = vector.extract %slice3A_251[0] : f32 from vector<1xf32>
        %broadcast_in_dim3A_253 = vector.broadcast %squeeze3A_252 : f32 to vector<16xf32>
        %mul3A_254 = arith.constant 16 : i32
        %mul3A_255 = arith.muli %scan3A_199, %mul3A_254 : i32
        %add3A_256 = arith.constant 1 : i32
        %add3A_257 = arith.addi %mul3A_255, %add3A_256 : i32
        %swap3A_258 = arith.index_cast %add3A_257 : i32 to index
        %swap3A_259 = arith.constant 0 : index
        %swap3A_260 = tpu.vector_load %arg7[%swap3A_258, %swap3A_259] {strides = array<i32>} : memref<256x128xf32, #tpu.memory_space<vmem>>, vector<1x16xf32>,
        %swap3A_261 = vector.shape_cast %swap3A_260 : vector<1x16xf32> to vector<16xf32>
        %swap3A_262 = vector.shape_cast %broadcast_in_dim3A_253 : vector<16xf32> to vector<1x16xf32>
        tpu.vector_store %arg7[%swap3A_258, %swap3A_259], %swap3A_262 {strides = array<i32>} : memref<256x128xf32, #tpu.memory_space<vmem>>, vector<1x16xf32>,
        %swap3A_263 = arith.index_cast %add3A_257 : i32 to index
        %swap3A_264 = arith.constant 16 : index
        %swap3A_265 = tpu.vector_load %arg7[%swap3A_263, %swap3A_264] {strides = array<i32>} : memref<256x128xf32, #tpu.memory_space<vmem>>, vector<1x16xf32>,
        %swap3A_266 = vector.shape_cast %swap3A_265 : vector<1x16xf32> to vector<16xf32>
        %swap3A_267 = vector.shape_cast %broadcast_in_dim3A_253 : vector<16xf32> to vector<1x16xf32>
        tpu.vector_store %arg7[%swap3A_263, %swap3A_264], %swap3A_267 {strides = array<i32>} : memref<256x128xf32, #tpu.memory_space<vmem>>, vector<1x16xf32>,
        %swap3A_268 = arith.index_cast %add3A_257 : i32 to index
        %swap3A_269 = arith.constant 32 : index
        %swap3A_270 = tpu.vector_load %arg7[%swap3A_268, %swap3A_269] {strides = array<i32>} : memref<256x128xf32, #tpu.memory_space<vmem>>, vector<1x16xf32>,
        %swap3A_271 = vector.shape_cast %swap3A_270 : vector<1x16xf32> to vector<16xf32>
        %swap3A_272 = vector.shape_cast %broadcast_in_dim3A_253 : vector<16xf32> to vector<1x16xf32>
        tpu.vector_store %arg7[%swap3A_268, %swap3A_269], %swap3A_272 {strides = array<i32>} : memref<256x128xf32, #tpu.memory_space<vmem>>, vector<1x16xf32>,
        %swap3A_273 = arith.index_cast %add3A_257 : i32 to index
        %swap3A_274 = arith.constant 48 : index
        %swap3A_275 = tpu.vector_load %arg7[%swap3A_273, %swap3A_274] {strides = array<i32>} : memref<256x128xf32, #tpu.memory_space<vmem>>, vector<1x16xf32>,
        %swap3A_276 = vector.shape_cast %swap3A_275 : vector<1x16xf32> to vector<16xf32>
        %swap3A_277 = vector.shape_cast %broadcast_in_dim3A_253 : vector<16xf32> to vector<1x16xf32>
        tpu.vector_store %arg7[%swap3A_273, %swap3A_274], %swap3A_277 {strides = array<i32>} : memref<256x128xf32, #tpu.memory_space<vmem>>, vector<1x16xf32>,
        %swap3A_278 = arith.index_cast %add3A_257 : i32 to index
        %swap3A_279 = arith.constant 64 : index
        %swap3A_280 = tpu.vector_load %arg7[%swap3A_278, %swap3A_279] {strides = array<i32>} : memref<256x128xf32, #tpu.memory_space<vmem>>, vector<1x16xf32>,
        %swap3A_281 = vector.shape_cast %swap3A_280 : vector<1x16xf32> to vector<16xf32>
        %swap3A_282 = vector.shape_cast %broadcast_in_dim3A_253 : vector<16xf32> to vector<1x16xf32>
        tpu.vector_store %arg7[%swap3A_278, %swap3A_279], %swap3A_282 {strides = array<i32>} : memref<256x128xf32, #tpu.memory_space<vmem>>, vector<1x16xf32>,
        %swap3A_283 = arith.index_cast %add3A_257 : i32 to index
        %swap3A_284 = arith.constant 80 : index
        %swap3A_285 = tpu.vector_load %arg7[%swap3A_283, %swap3A_284] {strides = array<i32>} : memref<256x128xf32, #tpu.memory_space<vmem>>, vector<1x16xf32>,
        %swap3A_286 = vector.shape_cast %swap3A_285 : vector<1x16xf32> to vector<16xf32>
        %swap3A_287 = vector.shape_cast %broadcast_in_dim3A_253 : vector<16xf32> to vector<1x16xf32>
        tpu.vector_store %arg7[%swap3A_283, %swap3A_284], %swap3A_287 {strides = array<i32>} : memref<256x128xf32, #tpu.memory_space<vmem>>, vector<1x16xf32>,
        %swap3A_288 = arith.index_cast %add3A_257 : i32 to index
        %swap3A_289 = arith.constant 96 : index
        %swap3A_290 = tpu.vector_load %arg7[%swap3A_288, %swap3A_289] {strides = array<i32>} : memref<256x128xf32, #tpu.memory_space<vmem>>, vector<1x16xf32>,
        %swap3A_291 = vector.shape_cast %swap3A_290 : vector<1x16xf32> to vector<16xf32>
        %swap3A_292 = vector.shape_cast %broadcast_in_dim3A_253 : vector<16xf32> to vector<1x16xf32>
        tpu.vector_store %arg7[%swap3A_288, %swap3A_289], %swap3A_292 {strides = array<i32>} : memref<256x128xf32, #tpu.memory_space<vmem>>, vector<1x16xf32>,
        %swap3A_293 = arith.index_cast %add3A_257 : i32 to index
        %swap3A_294 = arith.constant 112 : index
        %swap3A_295 = tpu.vector_load %arg7[%swap3A_293, %swap3A_294] {strides = array<i32>} : memref<256x128xf32, #tpu.memory_space<vmem>>, vector<1x16xf32>,
        %swap3A_296 = vector.shape_cast %swap3A_295 : vector<1x16xf32> to vector<16xf32>
        %swap3A_297 = vector.shape_cast %broadcast_in_dim3A_253 : vector<16xf32> to vector<1x16xf32>
        tpu.vector_store %arg7[%swap3A_293, %swap3A_294], %swap3A_297 {strides = array<i32>} : memref<256x128xf32, #tpu.memory_space<vmem>>, vector<1x16xf32>,
        %slice3A_298 = vector.extract_strided_slice %get3A_207 {offsets = [2], sizes = [1], strides = [1]} : vector<16xf32> to vector<1xf32>
        %squeeze3A_299 = vector.extract %slice3A_298[0] : f32 from vector<1xf32>
        %broadcast_in_dim3A_300 = vector.broadcast %squeeze3A_299 : f32 to vector<16xf32>
        %mul3A_301 = arith.constant 16 : i32
        %mul3A_302 = arith.muli %scan3A_199, %mul3A_301 : i32
        %add3A_303 = arith.constant 2 : i32
        %add3A_304 = arith.addi %mul3A_302, %add3A_303 : i32
        %swap3A_305 = arith.index_cast %add3A_304 : i32 to index
        %swap3A_306 = arith.constant 0 : index
        %swap3A_307 = tpu.vector_load %arg7[%swap3A_305, %swap3A_306] {strides = array<i32>} : memref<256x128xf32, #tpu.memory_space<vmem>>, vector<1x16xf32>,
        %swap3A_308 = vector.shape_cast %swap3A_307 : vector<1x16xf32> to vector<16xf32>
        %swap3A_309 = vector.shape_cast %broadcast_in_dim3A_300 : vector<16xf32> to vector<1x16xf32>
        tpu.vector_store %arg7[%swap3A_305, %swap3A_306], %swap3A_309 {strides = array<i32>} : memref<256x128xf32, #tpu.memory_space<vmem>>, vector<1x16xf32>,
        %swap3A_310 = arith.index_cast %add3A_304 : i32 to index
        %swap3A_311 = arith.constant 16 : index
        %swap3A_312 = tpu.vector_load %arg7[%swap3A_310, %swap3A_311] {strides = array<i32>} : memref<256x128xf32, #tpu.memory_space<vmem>>, vector<1x16xf32>,
        %swap3A_313 = vector.shape_cast %swap3A_312 : vector<1x16xf32> to vector<16xf32>
        %swap3A_314 = vector.shape_cast %broadcast_in_dim3A_300 : vector<16xf32> to vector<1x16xf32>
        tpu.vector_store %arg7[%swap3A_310, %swap3A_311], %swap3A_314 {strides = array<i32>} : memref<256x128xf32, #tpu.memory_space<vmem>>, vector<1x16xf32>,
        %swap3A_315 = arith.index_cast %add3A_304 : i32 to index
        %swap3A_316 = arith.constant 32 : index
        %swap3A_317 = tpu.vector_load %arg7[%swap3A_315, %swap3A_316] {strides = array<i32>} : memref<256x128xf32, #tpu.memory_space<vmem>>, vector<1x16xf32>,
        %swap3A_318 = vector.shape_cast %swap3A_317 : vector<1x16xf32> to vector<16xf32>
        %swap3A_319 = vector.shape_cast %broadcast_in_dim3A_300 : vector<16xf32> to vector<1x16xf32>
        tpu.vector_store %arg7[%swap3A_315, %swap3A_316], %swap3A_319 {strides = array<i32>} : memref<256x128xf32, #tpu.memory_space<vmem>>, vector<1x16xf32>,
        %swap3A_320 = arith.index_cast %add3A_304 : i32 to index
        %swap3A_321 = arith.constant 48 : index
        %swap3A_322 = tpu.vector_load %arg7[%swap3A_320, %swap3A_321] {strides = array<i32>} : memref<256x128xf32, #tpu.memory_space<vmem>>, vector<1x16xf32>,
        %swap3A_323 = vector.shape_cast %swap3A_322 : vector<1x16xf32> to vector<16xf32>
        %swap3A_324 = vector.shape_cast %broadcast_in_dim3A_300 : vector<16xf32> to vector<1x16xf32>
        tpu.vector_store %arg7[%swap3A_320, %swap3A_321], %swap3A_324 {strides = array<i32>} : memref<256x128xf32, #tpu.memory_space<vmem>>, vector<1x16xf32>,
        %swap3A_325 = arith.index_cast %add3A_304 : i32 to index
        %swap3A_326 = arith.constant 64 : index
        %swap3A_327 = tpu.vector_load %arg7[%swap3A_325, %swap3A_326] {strides = array<i32>} : memref<256x128xf32, #tpu.memory_space<vmem>>, vector<1x16xf32>,
        %swap3A_328 = vector.shape_cast %swap3A_327 : vector<1x16xf32> to vector<16xf32>
        %swap3A_329 = vector.shape_cast %broadcast_in_dim3A_300 : vector<16xf32> to vector<1x16xf32>
        tpu.vector_store %arg7[%swap3A_325, %swap3A_326], %swap3A_329 {strides = array<i32>} : memref<256x128xf32, #tpu.memory_space<vmem>>, vector<1x16xf32>,
        %swap3A_330 = arith.index_cast %add3A_304 : i32 to index
        %swap3A_331 = arith.constant 80 : index
        %swap3A_332 = tpu.vector_load %arg7[%swap3A_330, %swap3A_331] {strides = array<i32>} : memref<256x128xf32, #tpu.memory_space<vmem>>, vector<1x16xf32>,
        %swap3A_333 = vector.shape_cast %swap3A_332 : vector<1x16xf32> to vector<16xf32>
        %swap3A_334 = vector.shape_cast %broadcast_in_dim3A_300 : vector<16xf32> to vector<1x16xf32>
        tpu.vector_store %arg7[%swap3A_330, %swap3A_331], %swap3A_334 {strides = array<i32>} : memref<256x128xf32, #tpu.memory_space<vmem>>, vector<1x16xf32>,
        %swap3A_335 = arith.index_cast %add3A_304 : i32 to index
        %swap3A_336 = arith.constant 96 : index
        %swap3A_337 = tpu.vector_load %arg7[%swap3A_335, %swap3A_336] {strides = array<i32>} : memref<256x128xf32, #tpu.memory_space<vmem>>, vector<1x16xf32>,
        %swap3A_338 = vector.shape_cast %swap3A_337 : vector<1x16xf32> to vector<16xf32>
        %swap3A_339 = vector.shape_cast %broadcast_in_dim3A_300 : vector<16xf32> to vector<1x16xf32>
        tpu.vector_store %arg7[%swap3A_335, %swap3A_336], %swap3A_339 {strides = array<i32>} : memref<256x128xf32, #tpu.memory_space<vmem>>, vector<1x16xf32>,
        %swap3A_340 = arith.index_cast %add3A_304 : i32 to index
        %swap3A_341 = arith.constant 112 : index
        %swap3A_342 = tpu.vector_load %arg7[%swap3A_340, %swap3A_341] {strides = array<i32>} : memref<256x128xf32, #tpu.memory_space<vmem>>, vector<1x16xf32>,
        %swap3A_343 = vector.shape_cast %swap3A_342 : vector<1x16xf32> to vector<16xf32>
        %swap3A_344 = vector.shape_cast %broadcast_in_dim3A_300 : vector<16xf32> to vector<1x16xf32>
        tpu.vector_store %arg7[%swap3A_340, %swap3A_341], %swap3A_344 {strides = array<i32>} : memref<256x128xf32, #tpu.memory_space<vmem>>, vector<1x16xf32>,
        %slice3A_345 = vector.extract_strided_slice %get3A_207 {offsets = [3], sizes = [1], strides = [1]} : vector<16xf32> to vector<1xf32>
        %squeeze3A_346 = vector.extract %slice3A_345[0] : f32 from vector<1xf32>
        %broadcast_in_dim3A_347 = vector.broadcast %squeeze3A_346 : f32 to vector<16xf32>
        %mul3A_348 = arith.constant 16 : i32
        %mul3A_349 = arith.muli %scan3A_199, %mul3A_348 : i32
        %add3A_350 = arith.constant 3 : i32
        %add3A_351 = arith.addi %mul3A_349, %add3A_350 : i32
        %swap3A_352 = arith.index_cast %add3A_351 : i32 to index
        %swap3A_353 = arith.constant 0 : index
        %swap3A_354 = tpu.vector_load %arg7[%swap3A_352, %swap3A_353] {strides = array<i32>} : memref<256x128xf32, #tpu.memory_space<vmem>>, vector<1x16xf32>,
        %swap3A_355 = vector.shape_cast %swap3A_354 : vector<1x16xf32> to vector<16xf32>
        %swap3A_356 = vector.shape_cast %broadcast_in_dim3A_347 : vector<16xf32> to vector<1x16xf32>
        tpu.vector_store %arg7[%swap3A_352, %swap3A_353], %swap3A_356 {strides = array<i32>} : memref<256x128xf32, #tpu.memory_space<vmem>>, vector<1x16xf32>,
        %swap3A_357 = arith.index_cast %add3A_351 : i32 to index
        %swap3A_358 = arith.constant 16 : index
        %swap3A_359 = tpu.vector_load %arg7[%swap3A_357, %swap3A_358] {strides = array<i32>} : memref<256x128xf32, #tpu.memory_space<vmem>>, vector<1x16xf32>,
        %swap3A_360 = vector.shape_cast %swap3A_359 : vector<1x16xf32> to vector<16xf32>
        %swap3A_361 = vector.shape_cast %broadcast_in_dim3A_347 : vector<16xf32> to vector<1x16xf32>
        tpu.vector_store %arg7[%swap3A_357, %swap3A_358], %swap3A_361 {strides = array<i32>} : memref<256x128xf32, #tpu.memory_space<vmem>>, vector<1x16xf32>,
        %swap3A_362 = arith.index_cast %add3A_351 : i32 to index
        %swap3A_363 = arith.constant 32 : index
        %swap3A_364 = tpu.vector_load %arg7[%swap3A_362, %swap3A_363] {strides = array<i32>} : memref<256x128xf32, #tpu.memory_space<vmem>>, vector<1x16xf32>,
        %swap3A_365 = vector.shape_cast %swap3A_364 : vector<1x16xf32> to vector<16xf32>
        %swap3A_366 = vector.shape_cast %broadcast_in_dim3A_347 : vector<16xf32> to vector<1x16xf32>
        tpu.vector_store %arg7[%swap3A_362, %swap3A_363], %swap3A_366 {strides = array<i32>} : memref<256x128xf32, #tpu.memory_space<vmem>>, vector<1x16xf32>,
        %swap3A_367 = arith.index_cast %add3A_351 : i32 to index
        %swap3A_368 = arith.constant 48 : index
        %swap3A_369 = tpu.vector_load %arg7[%swap3A_367, %swap3A_368] {strides = array<i32>} : memref<256x128xf32, #tpu.memory_space<vmem>>, vector<1x16xf32>,
        %swap3A_370 = vector.shape_cast %swap3A_369 : vector<1x16xf32> to vector<16xf32>
        %swap3A_371 = vector.shape_cast %broadcast_in_dim3A_347 : vector<16xf32> to vector<1x16xf32>
        tpu.vector_store %arg7[%swap3A_367, %swap3A_368], %swap3A_371 {strides = array<i32>} : memref<256x128xf32, #tpu.memory_space<vmem>>, vector<1x16xf32>,
        %swap3A_372 = arith.index_cast %add3A_351 : i32 to index
        %swap3A_373 = arith.constant 64 : index
        %swap3A_374 = tpu.vector_load %arg7[%swap3A_372, %swap3A_373] {strides = array<i32>} : memref<256x128xf32, #tpu.memory_space<vmem>>, vector<1x16xf32>,
        %swap3A_375 = vector.shape_cast %swap3A_374 : vector<1x16xf32> to vector<16xf32>
        %swap3A_376 = vector.shape_cast %broadcast_in_dim3A_347 : vector<16xf32> to vector<1x16xf32>
        tpu.vector_store %arg7[%swap3A_372, %swap3A_373], %swap3A_376 {strides = array<i32>} : memref<256x128xf32, #tpu.memory_space<vmem>>, vector<1x16xf32>,
        %swap3A_377 = arith.index_cast %add3A_351 : i32 to index
        %swap3A_378 = arith.constant 80 : index
        %swap3A_379 = tpu.vector_load %arg7[%swap3A_377, %swap3A_378] {strides = array<i32>} : memref<256x128xf32, #tpu.memory_space<vmem>>, vector<1x16xf32>,
        %swap3A_380 = vector.shape_cast %swap3A_379 : vector<1x16xf32> to vector<16xf32>
        %swap3A_381 = vector.shape_cast %broadcast_in_dim3A_347 : vector<16xf32> to vector<1x16xf32>
        tpu.vector_store %arg7[%swap3A_377, %swap3A_378], %swap3A_381 {strides = array<i32>} : memref<256x128xf32, #tpu.memory_space<vmem>>, vector<1x16xf32>,
        %swap3A_382 = arith.index_cast %add3A_351 : i32 to index
        %swap3A_383 = arith.constant 96 : index
        %swap3A_384 = tpu.vector_load %arg7[%swap3A_382, %swap3A_383] {strides = array<i32>} : memref<256x128xf32, #tpu.memory_space<vmem>>, vector<1x16xf32>,
        %swap3A_385 = vector.shape_cast %swap3A_384 : vector<1x16xf32> to vector<16xf32>
        %swap3A_386 = vector.shape_cast %broadcast_in_dim3A_347 : vector<16xf32> to vector<1x16xf32>
        tpu.vector_store %arg7[%swap3A_382, %swap3A_383], %swap3A_386 {strides = array<i32>} : memref<256x128xf32, #tpu.memory_space<vmem>>, vector<1x16xf32>,
        %swap3A_387 = arith.index_cast %add3A_351 : i32 to index
        %swap3A_388 = arith.constant 112 : index
        %swap3A_389 = tpu.vector_load %arg7[%swap3A_387, %swap3A_388] {strides = array<i32>} : memref<256x128xf32, #tpu.memory_space<vmem>>, vector<1x16xf32>,
        %swap3A_390 = vector.shape_cast %swap3A_389 : vector<1x16xf32> to vector<16xf32>
        %swap3A_391 = vector.shape_cast %broadcast_in_dim3A_347 : vector<16xf32> to vector<1x16xf32>
        tpu.vector_store %arg7[%swap3A_387, %swap3A_388], %swap3A_391 {strides = array<i32>} : memref<256x128xf32, #tpu.memory_space<vmem>>, vector<1x16xf32>,
        %slice3A_392 = vector.extract_strided_slice %get3A_207 {offsets = [4], sizes = [1], strides = [1]} : vector<16xf32> to vector<1xf32>
        %squeeze3A_393 = vector.extract %slice3A_392[0] : f32 from vector<1xf32>
        %broadcast_in_dim3A_394 = vector.broadcast %squeeze3A_393 : f32 to vector<16xf32>
        %mul3A_395 = arith.constant 16 : i32
        %mul3A_396 = arith.muli %scan3A_199, %mul3A_395 : i32
        %add3A_397 = arith.constant 4 : i32
        %add3A_398 = arith.addi %mul3A_396, %add3A_397 : i32
        %swap3A_399 = arith.index_cast %add3A_398 : i32 to index
        %swap3A_400 = arith.constant 0 : index
        %swap3A_401 = tpu.vector_load %arg7[%swap3A_399, %swap3A_400] {strides = array<i32>} : memref<256x128xf32, #tpu.memory_space<vmem>>, vector<1x16xf32>,
        %swap3A_402 = vector.shape_cast %swap3A_401 : vector<1x16xf32> to vector<16xf32>
        %swap3A_403 = vector.shape_cast %broadcast_in_dim3A_394 : vector<16xf32> to vector<1x16xf32>
        tpu.vector_store %arg7[%swap3A_399, %swap3A_400], %swap3A_403 {strides = array<i32>} : memref<256x128xf32, #tpu.memory_space<vmem>>, vector<1x16xf32>,
        %swap3A_404 = arith.index_cast %add3A_398 : i32 to index
        %swap3A_405 = arith.constant 16 : index
        %swap3A_406 = tpu.vector_load %arg7[%swap3A_404, %swap3A_405] {strides = array<i32>} : memref<256x128xf32, #tpu.memory_space<vmem>>, vector<1x16xf32>,
        %swap3A_407 = vector.shape_cast %swap3A_406 : vector<1x16xf32> to vector<16xf32>
        %swap3A_408 = vector.shape_cast %broadcast_in_dim3A_394 : vector<16xf32> to vector<1x16xf32>
        tpu.vector_store %arg7[%swap3A_404, %swap3A_405], %swap3A_408 {strides = array<i32>} : memref<256x128xf32, #tpu.memory_space<vmem>>, vector<1x16xf32>,
        %swap3A_409 = arith.index_cast %add3A_398 : i32 to index
        %swap3A_410 = arith.constant 32 : index
        %swap3A_411 = tpu.vector_load %arg7[%swap3A_409, %swap3A_410] {strides = array<i32>} : memref<256x128xf32, #tpu.memory_space<vmem>>, vector<1x16xf32>,
        %swap3A_412 = vector.shape_cast %swap3A_411 : vector<1x16xf32> to vector<16xf32>
        %swap3A_413 = vector.shape_cast %broadcast_in_dim3A_394 : vector<16xf32> to vector<1x16xf32>
        tpu.vector_store %arg7[%swap3A_409, %swap3A_410], %swap3A_413 {strides = array<i32>} : memref<256x128xf32, #tpu.memory_space<vmem>>, vector<1x16xf32>,
        %swap3A_414 = arith.index_cast %add3A_398 : i32 to index
        %swap3A_415 = arith.constant 48 : index
        %swap3A_416 = tpu.vector_load %arg7[%swap3A_414, %swap3A_415] {strides = array<i32>} : memref<256x128xf32, #tpu.memory_space<vmem>>, vector<1x16xf32>,
        %swap3A_417 = vector.shape_cast %swap3A_416 : vector<1x16xf32> to vector<16xf32>
        %swap3A_418 = vector.shape_cast %broadcast_in_dim3A_394 : vector<16xf32> to vector<1x16xf32>
        tpu.vector_store %arg7[%swap3A_414, %swap3A_415], %swap3A_418 {strides = array<i32>} : memref<256x128xf32, #tpu.memory_space<vmem>>, vector<1x16xf32>,
        %swap3A_419 = arith.index_cast %add3A_398 : i32 to index
        %swap3A_420 = arith.constant 64 : index
        %swap3A_421 = tpu.vector_load %arg7[%swap3A_419, %swap3A_420] {strides = array<i32>} : memref<256x128xf32, #tpu.memory_space<vmem>>, vector<1x16xf32>,
        %swap3A_422 = vector.shape_cast %swap3A_421 : vector<1x16xf32> to vector<16xf32>
        %swap3A_423 = vector.shape_cast %broadcast_in_dim3A_394 : vector<16xf32> to vector<1x16xf32>
        tpu.vector_store %arg7[%swap3A_419, %swap3A_420], %swap3A_423 {strides = array<i32>} : memref<256x128xf32, #tpu.memory_space<vmem>>, vector<1x16xf32>,
        %swap3A_424 = arith.index_cast %add3A_398 : i32 to index
        %swap3A_425 = arith.constant 80 : index
        %swap3A_426 = tpu.vector_load %arg7[%swap3A_424, %swap3A_425] {strides = array<i32>} : memref<256x128xf32, #tpu.memory_space<vmem>>, vector<1x16xf32>,
        %swap3A_427 = vector.shape_cast %swap3A_426 : vector<1x16xf32> to vector<16xf32>
        %swap3A_428 = vector.shape_cast %broadcast_in_dim3A_394 : vector<16xf32> to vector<1x16xf32>
        tpu.vector_store %arg7[%swap3A_424, %swap3A_425], %swap3A_428 {strides = array<i32>} : memref<256x128xf32, #tpu.memory_space<vmem>>, vector<1x16xf32>,
        %swap3A_429 = arith.index_cast %add3A_398 : i32 to index
        %swap3A_430 = arith.constant 96 : index
        %swap3A_431 = tpu.vector_load %arg7[%swap3A_429, %swap3A_430] {strides = array<i32>} : memref<256x128xf32, #tpu.memory_space<vmem>>, vector<1x16xf32>,
        %swap3A_432 = vector.shape_cast %swap3A_431 : vector<1x16xf32> to vector<16xf32>
        %swap3A_433 = vector.shape_cast %broadcast_in_dim3A_394 : vector<16xf32> to vector<1x16xf32>
        tpu.vector_store %arg7[%swap3A_429, %swap3A_430], %swap3A_433 {strides = array<i32>} : memref<256x128xf32, #tpu.memory_space<vmem>>, vector<1x16xf32>,
        %swap3A_434 = arith.index_cast %add3A_398 : i32 to index
        %swap3A_435 = arith.constant 112 : index
        %swap3A_436 = tpu.vector_load %arg7[%swap3A_434, %swap3A_435] {strides = array<i32>} : memref<256x128xf32, #tpu.memory_space<vmem>>, vector<1x16xf32>,
        %swap3A_437 = vector.shape_cast %swap3A_436 : vector<1x16xf32> to vector<16xf32>
        %swap3A_438 = vector.shape_cast %broadcast_in_dim3A_394 : vector<16xf32> to vector<1x16xf32>
        tpu.vector_store %arg7[%swap3A_434, %swap3A_435], %swap3A_438 {strides = array<i32>} : memref<256x128xf32, #tpu.memory_space<vmem>>, vector<1x16xf32>,
        %slice3A_439 = vector.extract_strided_slice %get3A_207 {offsets = [5], sizes = [1], strides = [1]} : vector<16xf32> to vector<1xf32>
        %squeeze3A_440 = vector.extract %slice3A_439[0] : f32 from vector<1xf32>
        %broadcast_in_dim3A_441 = vector.broadcast %squeeze3A_440 : f32 to vector<16xf32>
        %mul3A_442 = arith.constant 16 : i32
        %mul3A_443 = arith.muli %scan3A_199, %mul3A_442 : i32
        %add3A_444 = arith.constant 5 : i32
        %add3A_445 = arith.addi %mul3A_443, %add3A_444 : i32
        %swap3A_446 = arith.index_cast %add3A_445 : i32 to index
        %swap3A_447 = arith.constant 0 : index
        %swap3A_448 = tpu.vector_load %arg7[%swap3A_446, %swap3A_447] {strides = array<i32>} : memref<256x128xf32, #tpu.memory_space<vmem>>, vector<1x16xf32>,
        %swap3A_449 = vector.shape_cast %swap3A_448 : vector<1x16xf32> to vector<16xf32>
        %swap3A_450 = vector.shape_cast %broadcast_in_dim3A_441 : vector<16xf32> to vector<1x16xf32>
        tpu.vector_store %arg7[%swap3A_446, %swap3A_447], %swap3A_450 {strides = array<i32>} : memref<256x128xf32, #tpu.memory_space<vmem>>, vector<1x16xf32>,
        %swap3A_451 = arith.index_cast %add3A_445 : i32 to index
        %swap3A_452 = arith.constant 16 : index
        %swap3A_453 = tpu.vector_load %arg7[%swap3A_451, %swap3A_452] {strides = array<i32>} : memref<256x128xf32, #tpu.memory_space<vmem>>, vector<1x16xf32>,
        %swap3A_454 = vector.shape_cast %swap3A_453 : vector<1x16xf32> to vector<16xf32>
        %swap3A_455 = vector.shape_cast %broadcast_in_dim3A_441 : vector<16xf32> to vector<1x16xf32>
        tpu.vector_store %arg7[%swap3A_451, %swap3A_452], %swap3A_455 {strides = array<i32>} : memref<256x128xf32, #tpu.memory_space<vmem>>, vector<1x16xf32>,
        %swap3A_456 = arith.index_cast %add3A_445 : i32 to index
        %swap3A_457 = arith.constant 32 : index
        %swap3A_458 = tpu.vector_load %arg7[%swap3A_456, %swap3A_457] {strides = array<i32>} : memref<256x128xf32, #tpu.memory_space<vmem>>, vector<1x16xf32>,
        %swap3A_459 = vector.shape_cast %swap3A_458 : vector<1x16xf32> to vector<16xf32>
        %swap3A_460 = vector.shape_cast %broadcast_in_dim3A_441 : vector<16xf32> to vector<1x16xf32>
        tpu.vector_store %arg7[%swap3A_456, %swap3A_457], %swap3A_460 {strides = array<i32>} : memref<256x128xf32, #tpu.memory_space<vmem>>, vector<1x16xf32>,
        %swap3A_461 = arith.index_cast %add3A_445 : i32 to index
        %swap3A_462 = arith.constant 48 : index
        %swap3A_463 = tpu.vector_load %arg7[%swap3A_461, %swap3A_462] {strides = array<i32>} : memref<256x128xf32, #tpu.memory_space<vmem>>, vector<1x16xf32>,
        %swap3A_464 = vector.shape_cast %swap3A_463 : vector<1x16xf32> to vector<16xf32>
        %swap3A_465 = vector.shape_cast %broadcast_in_dim3A_441 : vector<16xf32> to vector<1x16xf32>
        tpu.vector_store %arg7[%swap3A_461, %swap3A_462], %swap3A_465 {strides = array<i32>} : memref<256x128xf32, #tpu.memory_space<vmem>>, vector<1x16xf32>,
        %swap3A_466 = arith.index_cast %add3A_445 : i32 to index
        %swap3A_467 = arith.constant 64 : index
        %swap3A_468 = tpu.vector_load %arg7[%swap3A_466, %swap3A_467] {strides = array<i32>} : memref<256x128xf32, #tpu.memory_space<vmem>>, vector<1x16xf32>,
        %swap3A_469 = vector.shape_cast %swap3A_468 : vector<1x16xf32> to vector<16xf32>
        %swap3A_470 = vector.shape_cast %broadcast_in_dim3A_441 : vector<16xf32> to vector<1x16xf32>
        tpu.vector_store %arg7[%swap3A_466, %swap3A_467], %swap3A_470 {strides = array<i32>} : memref<256x128xf32, #tpu.memory_space<vmem>>, vector<1x16xf32>,
        %swap3A_471 = arith.index_cast %add3A_445 : i32 to index
        %swap3A_472 = arith.constant 80 : index
        %swap3A_473 = tpu.vector_load %arg7[%swap3A_471, %swap3A_472] {strides = array<i32>} : memref<256x128xf32, #tpu.memory_space<vmem>>, vector<1x16xf32>,
        %swap3A_474 = vector.shape_cast %swap3A_473 : vector<1x16xf32> to vector<16xf32>
        %swap3A_475 = vector.shape_cast %broadcast_in_dim3A_441 : vector<16xf32> to vector<1x16xf32>
        tpu.vector_store %arg7[%swap3A_471, %swap3A_472], %swap3A_475 {strides = array<i32>} : memref<256x128xf32, #tpu.memory_space<vmem>>, vector<1x16xf32>,
        %swap3A_476 = arith.index_cast %add3A_445 : i32 to index
        %swap3A_477 = arith.constant 96 : index
        %swap3A_478 = tpu.vector_load %arg7[%swap3A_476, %swap3A_477] {strides = array<i32>} : memref<256x128xf32, #tpu.memory_space<vmem>>, vector<1x16xf32>,
        %swap3A_479 = vector.shape_cast %swap3A_478 : vector<1x16xf32> to vector<16xf32>
        %swap3A_480 = vector.shape_cast %broadcast_in_dim3A_441 : vector<16xf32> to vector<1x16xf32>
        tpu.vector_store %arg7[%swap3A_476, %swap3A_477], %swap3A_480 {strides = array<i32>} : memref<256x128xf32, #tpu.memory_space<vmem>>, vector<1x16xf32>,
        %swap3A_481 = arith.index_cast %add3A_445 : i32 to index
        %swap3A_482 = arith.constant 112 : index
        %swap3A_483 = tpu.vector_load %arg7[%swap3A_481, %swap3A_482] {strides = array<i32>} : memref<256x128xf32, #tpu.memory_space<vmem>>, vector<1x16xf32>,
        %swap3A_484 = vector.shape_cast %swap3A_483 : vector<1x16xf32> to vector<16xf32>
        %swap3A_485 = vector.shape_cast %broadcast_in_dim3A_441 : vector<16xf32> to vector<1x16xf32>
        tpu.vector_store %arg7[%swap3A_481, %swap3A_482], %swap3A_485 {strides = array<i32>} : memref<256x128xf32, #tpu.memory_space<vmem>>, vector<1x16xf32>,
        %slice3A_486 = vector.extract_strided_slice %get3A_207 {offsets = [6], sizes = [1], strides = [1]} : vector<16xf32> to vector<1xf32>
        %squeeze3A_487 = vector.extract %slice3A_486[0] : f32 from vector<1xf32>
        %broadcast_in_dim3A_488 = vector.broadcast %squeeze3A_487 : f32 to vector<16xf32>
        %mul3A_489 = arith.constant 16 : i32
        %mul3A_490 = arith.muli %scan3A_199, %mul3A_489 : i32
        %add3A_491 = arith.constant 6 : i32
        %add3A_492 = arith.addi %mul3A_490, %add3A_491 : i32
        %swap3A_493 = arith.index_cast %add3A_492 : i32 to index
        %swap3A_494 = arith.constant 0 : index
        %swap3A_495 = tpu.vector_load %arg7[%swap3A_493, %swap3A_494] {strides = array<i32>} : memref<256x128xf32, #tpu.memory_space<vmem>>, vector<1x16xf32>,
        %swap3A_496 = vector.shape_cast %swap3A_495 : vector<1x16xf32> to vector<16xf32>
        %swap3A_497 = vector.shape_cast %broadcast_in_dim3A_488 : vector<16xf32> to vector<1x16xf32>
        tpu.vector_store %arg7[%swap3A_493, %swap3A_494], %swap3A_497 {strides = array<i32>} : memref<256x128xf32, #tpu.memory_space<vmem>>, vector<1x16xf32>,
        %swap3A_498 = arith.index_cast %add3A_492 : i32 to index
        %swap3A_499 = arith.constant 16 : index
        %swap3A_500 = tpu.vector_load %arg7[%swap3A_498, %swap3A_499] {strides = array<i32>} : memref<256x128xf32, #tpu.memory_space<vmem>>, vector<1x16xf32>,
        %swap3A_501 = vector.shape_cast %swap3A_500 : vector<1x16xf32> to vector<16xf32>
        %swap3A_502 = vector.shape_cast %broadcast_in_dim3A_488 : vector<16xf32> to vector<1x16xf32>
        tpu.vector_store %arg7[%swap3A_498, %swap3A_499], %swap3A_502 {strides = array<i32>} : memref<256x128xf32, #tpu.memory_space<vmem>>, vector<1x16xf32>,
        %swap3A_503 = arith.index_cast %add3A_492 : i32 to index
        %swap3A_504 = arith.constant 32 : index
        %swap3A_505 = tpu.vector_load %arg7[%swap3A_503, %swap3A_504] {strides = array<i32>} : memref<256x128xf32, #tpu.memory_space<vmem>>, vector<1x16xf32>,
        %swap3A_506 = vector.shape_cast %swap3A_505 : vector<1x16xf32> to vector<16xf32>
        %swap3A_507 = vector.shape_cast %broadcast_in_dim3A_488 : vector<16xf32> to vector<1x16xf32>
        tpu.vector_store %arg7[%swap3A_503, %swap3A_504], %swap3A_507 {strides = array<i32>} : memref<256x128xf32, #tpu.memory_space<vmem>>, vector<1x16xf32>,
        %swap3A_508 = arith.index_cast %add3A_492 : i32 to index
        %swap3A_509 = arith.constant 48 : index
        %swap3A_510 = tpu.vector_load %arg7[%swap3A_508, %swap3A_509] {strides = array<i32>} : memref<256x128xf32, #tpu.memory_space<vmem>>, vector<1x16xf32>,
        %swap3A_511 = vector.shape_cast %swap3A_510 : vector<1x16xf32> to vector<16xf32>
        %swap3A_512 = vector.shape_cast %broadcast_in_dim3A_488 : vector<16xf32> to vector<1x16xf32>
        tpu.vector_store %arg7[%swap3A_508, %swap3A_509], %swap3A_512 {strides = array<i32>} : memref<256x128xf32, #tpu.memory_space<vmem>>, vector<1x16xf32>,
        %swap3A_513 = arith.index_cast %add3A_492 : i32 to index
        %swap3A_514 = arith.constant 64 : index
        %swap3A_515 = tpu.vector_load %arg7[%swap3A_513, %swap3A_514] {strides = array<i32>} : memref<256x128xf32, #tpu.memory_space<vmem>>, vector<1x16xf32>,
        %swap3A_516 = vector.shape_cast %swap3A_515 : vector<1x16xf32> to vector<16xf32>
        %swap3A_517 = vector.shape_cast %broadcast_in_dim3A_488 : vector<16xf32> to vector<1x16xf32>
        tpu.vector_store %arg7[%swap3A_513, %swap3A_514], %swap3A_517 {strides = array<i32>} : memref<256x128xf32, #tpu.memory_space<vmem>>, vector<1x16xf32>,
        %swap3A_518 = arith.index_cast %add3A_492 : i32 to index
        %swap3A_519 = arith.constant 80 : index
        %swap3A_520 = tpu.vector_load %arg7[%swap3A_518, %swap3A_519] {strides = array<i32>} : memref<256x128xf32, #tpu.memory_space<vmem>>, vector<1x16xf32>,
        %swap3A_521 = vector.shape_cast %swap3A_520 : vector<1x16xf32> to vector<16xf32>
        %swap3A_522 = vector.shape_cast %broadcast_in_dim3A_488 : vector<16xf32> to vector<1x16xf32>
        tpu.vector_store %arg7[%swap3A_518, %swap3A_519], %swap3A_522 {strides = array<i32>} : memref<256x128xf32, #tpu.memory_space<vmem>>, vector<1x16xf32>,
        %swap3A_523 = arith.index_cast %add3A_492 : i32 to index
        %swap3A_524 = arith.constant 96 : index
        %swap3A_525 = tpu.vector_load %arg7[%swap3A_523, %swap3A_524] {strides = array<i32>} : memref<256x128xf32, #tpu.memory_space<vmem>>, vector<1x16xf32>,
        %swap3A_526 = vector.shape_cast %swap3A_525 : vector<1x16xf32> to vector<16xf32>
        %swap3A_527 = vector.shape_cast %broadcast_in_dim3A_488 : vector<16xf32> to vector<1x16xf32>
        tpu.vector_store %arg7[%swap3A_523, %swap3A_524], %swap3A_527 {strides = array<i32>} : memref<256x128xf32, #tpu.memory_space<vmem>>, vector<1x16xf32>,
        %swap3A_528 = arith.index_cast %add3A_492 : i32 to index
        %swap3A_529 = arith.constant 112 : index
        %swap3A_530 = tpu.vector_load %arg7[%swap3A_528, %swap3A_529] {strides = array<i32>} : memref<256x128xf32, #tpu.memory_space<vmem>>, vector<1x16xf32>,
        %swap3A_531 = vector.shape_cast %swap3A_530 : vector<1x16xf32> to vector<16xf32>
        %swap3A_532 = vector.shape_cast %broadcast_in_dim3A_488 : vector<16xf32> to vector<1x16xf32>
        tpu.vector_store %arg7[%swap3A_528, %swap3A_529], %swap3A_532 {strides = array<i32>} : memref<256x128xf32, #tpu.memory_space<vmem>>, vector<1x16xf32>,
        %slice3A_533 = vector.extract_strided_slice %get3A_207 {offsets = [7], sizes = [1], strides = [1]} : vector<16xf32> to vector<1xf32>
        %squeeze3A_534 = vector.extract %slice3A_533[0] : f32 from vector<1xf32>
        %broadcast_in_dim3A_535 = vector.broadcast %squeeze3A_534 : f32 to vector<16xf32>
        %mul3A_536 = arith.constant 16 : i32
        %mul3A_537 = arith.muli %scan3A_199, %mul3A_536 : i32
        %add3A_538 = arith.constant 7 : i32
        %add3A_539 = arith.addi %mul3A_537, %add3A_538 : i32
        %swap3A_540 = arith.index_cast %add3A_539 : i32 to index
        %swap3A_541 = arith.constant 0 : index
        %swap3A_542 = tpu.vector_load %arg7[%swap3A_540, %swap3A_541] {strides = array<i32>} : memref<256x128xf32, #tpu.memory_space<vmem>>, vector<1x16xf32>,
        %swap3A_543 = vector.shape_cast %swap3A_542 : vector<1x16xf32> to vector<16xf32>
        %swap3A_544 = vector.shape_cast %broadcast_in_dim3A_535 : vector<16xf32> to vector<1x16xf32>
        tpu.vector_store %arg7[%swap3A_540, %swap3A_541], %swap3A_544 {strides = array<i32>} : memref<256x128xf32, #tpu.memory_space<vmem>>, vector<1x16xf32>,
        %swap3A_545 = arith.index_cast %add3A_539 : i32 to index
        %swap3A_546 = arith.constant 16 : index
        %swap3A_547 = tpu.vector_load %arg7[%swap3A_545, %swap3A_546] {strides = array<i32>} : memref<256x128xf32, #tpu.memory_space<vmem>>, vector<1x16xf32>,
        %swap3A_548 = vector.shape_cast %swap3A_547 : vector<1x16xf32> to vector<16xf32>
        %swap3A_549 = vector.shape_cast %broadcast_in_dim3A_535 : vector<16xf32> to vector<1x16xf32>
        tpu.vector_store %arg7[%swap3A_545, %swap3A_546], %swap3A_549 {strides = array<i32>} : memref<256x128xf32, #tpu.memory_space<vmem>>, vector<1x16xf32>,
        %swap3A_550 = arith.index_cast %add3A_539 : i32 to index
        %swap3A_551 = arith.constant 32 : index
        %swap3A_552 = tpu.vector_load %arg7[%swap3A_550, %swap3A_551] {strides = array<i32>} : memref<256x128xf32, #tpu.memory_space<vmem>>, vector<1x16xf32>,
        %swap3A_553 = vector.shape_cast %swap3A_552 : vector<1x16xf32> to vector<16xf32>
        %swap3A_554 = vector.shape_cast %broadcast_in_dim3A_535 : vector<16xf32> to vector<1x16xf32>
        tpu.vector_store %arg7[%swap3A_550, %swap3A_551], %swap3A_554 {strides = array<i32>} : memref<256x128xf32, #tpu.memory_space<vmem>>, vector<1x16xf32>,
        %swap3A_555 = arith.index_cast %add3A_539 : i32 to index
        %swap3A_556 = arith.constant 48 : index
        %swap3A_557 = tpu.vector_load %arg7[%swap3A_555, %swap3A_556] {strides = array<i32>} : memref<256x128xf32, #tpu.memory_space<vmem>>, vector<1x16xf32>,
        %swap3A_558 = vector.shape_cast %swap3A_557 : vector<1x16xf32> to vector<16xf32>
        %swap3A_559 = vector.shape_cast %broadcast_in_dim3A_535 : vector<16xf32> to vector<1x16xf32>
        tpu.vector_store %arg7[%swap3A_555, %swap3A_556], %swap3A_559 {strides = array<i32>} : memref<256x128xf32, #tpu.memory_space<vmem>>, vector<1x16xf32>,
        %swap3A_560 = arith.index_cast %add3A_539 : i32 to index
        %swap3A_561 = arith.constant 64 : index
        %swap3A_562 = tpu.vector_load %arg7[%swap3A_560, %swap3A_561] {strides = array<i32>} : memref<256x128xf32, #tpu.memory_space<vmem>>, vector<1x16xf32>,
        %swap3A_563 = vector.shape_cast %swap3A_562 : vector<1x16xf32> to vector<16xf32>
        %swap3A_564 = vector.shape_cast %broadcast_in_dim3A_535 : vector<16xf32> to vector<1x16xf32>
        tpu.vector_store %arg7[%swap3A_560, %swap3A_561], %swap3A_564 {strides = array<i32>} : memref<256x128xf32, #tpu.memory_space<vmem>>, vector<1x16xf32>,
        %swap3A_565 = arith.index_cast %add3A_539 : i32 to index
        %swap3A_566 = arith.constant 80 : index
        %swap3A_567 = tpu.vector_load %arg7[%swap3A_565, %swap3A_566] {strides = array<i32>} : memref<256x128xf32, #tpu.memory_space<vmem>>, vector<1x16xf32>,
        %swap3A_568 = vector.shape_cast %swap3A_567 : vector<1x16xf32> to vector<16xf32>
        %swap3A_569 = vector.shape_cast %broadcast_in_dim3A_535 : vector<16xf32> to vector<1x16xf32>
        tpu.vector_store %arg7[%swap3A_565, %swap3A_566], %swap3A_569 {strides = array<i32>} : memref<256x128xf32, #tpu.memory_space<vmem>>, vector<1x16xf32>,
        %swap3A_570 = arith.index_cast %add3A_539 : i32 to index
        %swap3A_571 = arith.constant 96 : index
        %swap3A_572 = tpu.vector_load %arg7[%swap3A_570, %swap3A_571] {strides = array<i32>} : memref<256x128xf32, #tpu.memory_space<vmem>>, vector<1x16xf32>,
        %swap3A_573 = vector.shape_cast %swap3A_572 : vector<1x16xf32> to vector<16xf32>
        %swap3A_574 = vector.shape_cast %broadcast_in_dim3A_535 : vector<16xf32> to vector<1x16xf32>
        tpu.vector_store %arg7[%swap3A_570, %swap3A_571], %swap3A_574 {strides = array<i32>} : memref<256x128xf32, #tpu.memory_space<vmem>>, vector<1x16xf32>,
        %swap3A_575 = arith.index_cast %add3A_539 : i32 to index
        %swap3A_576 = arith.constant 112 : index
        %swap3A_577 = tpu.vector_load %arg7[%swap3A_575, %swap3A_576] {strides = array<i32>} : memref<256x128xf32, #tpu.memory_space<vmem>>, vector<1x16xf32>,
        %swap3A_578 = vector.shape_cast %swap3A_577 : vector<1x16xf32> to vector<16xf32>
        %swap3A_579 = vector.shape_cast %broadcast_in_dim3A_535 : vector<16xf32> to vector<1x16xf32>
        tpu.vector_store %arg7[%swap3A_575, %swap3A_576], %swap3A_579 {strides = array<i32>} : memref<256x128xf32, #tpu.memory_space<vmem>>, vector<1x16xf32>,
        %slice3A_580 = vector.extract_strided_slice %get3A_207 {offsets = [8], sizes = [1], strides = [1]} : vector<16xf32> to vector<1xf32>
        %squeeze3A_581 = vector.extract %slice3A_580[0] : f32 from vector<1xf32>
        %broadcast_in_dim3A_582 = vector.broadcast %squeeze3A_581 : f32 to vector<16xf32>
        %mul3A_583 = arith.constant 16 : i32
        %mul3A_584 = arith.muli %scan3A_199, %mul3A_583 : i32
        %add3A_585 = arith.constant 8 : i32
        %add3A_586 = arith.addi %mul3A_584, %add3A_585 : i32
        %swap3A_587 = arith.index_cast %add3A_586 : i32 to index
        %swap3A_588 = arith.constant 0 : index
        %swap3A_589 = tpu.vector_load %arg7[%swap3A_587, %swap3A_588] {strides = array<i32>} : memref<256x128xf32, #tpu.memory_space<vmem>>, vector<1x16xf32>,
        %swap3A_590 = vector.shape_cast %swap3A_589 : vector<1x16xf32> to vector<16xf32>
        %swap3A_591 = vector.shape_cast %broadcast_in_dim3A_582 : vector<16xf32> to vector<1x16xf32>
        tpu.vector_store %arg7[%swap3A_587, %swap3A_588], %swap3A_591 {strides = array<i32>} : memref<256x128xf32, #tpu.memory_space<vmem>>, vector<1x16xf32>,
        %swap3A_592 = arith.index_cast %add3A_586 : i32 to index
        %swap3A_593 = arith.constant 16 : index
        %swap3A_594 = tpu.vector_load %arg7[%swap3A_592, %swap3A_593] {strides = array<i32>} : memref<256x128xf32, #tpu.memory_space<vmem>>, vector<1x16xf32>,
        %swap3A_595 = vector.shape_cast %swap3A_594 : vector<1x16xf32> to vector<16xf32>
        %swap3A_596 = vector.shape_cast %broadcast_in_dim3A_582 : vector<16xf32> to vector<1x16xf32>
        tpu.vector_store %arg7[%swap3A_592, %swap3A_593], %swap3A_596 {strides = array<i32>} : memref<256x128xf32, #tpu.memory_space<vmem>>, vector<1x16xf32>,
        %swap3A_597 = arith.index_cast %add3A_586 : i32 to index
        %swap3A_598 = arith.constant 32 : index
        %swap3A_599 = tpu.vector_load %arg7[%swap3A_597, %swap3A_598] {strides = array<i32>} : memref<256x128xf32, #tpu.memory_space<vmem>>, vector<1x16xf32>,
        %swap3A_600 = vector.shape_cast %swap3A_599 : vector<1x16xf32> to vector<16xf32>
        %swap3A_601 = vector.shape_cast %broadcast_in_dim3A_582 : vector<16xf32> to vector<1x16xf32>
        tpu.vector_store %arg7[%swap3A_597, %swap3A_598], %swap3A_601 {strides = array<i32>} : memref<256x128xf32, #tpu.memory_space<vmem>>, vector<1x16xf32>,
        %swap3A_602 = arith.index_cast %add3A_586 : i32 to index
        %swap3A_603 = arith.constant 48 : index
        %swap3A_604 = tpu.vector_load %arg7[%swap3A_602, %swap3A_603] {strides = array<i32>} : memref<256x128xf32, #tpu.memory_space<vmem>>, vector<1x16xf32>,
        %swap3A_605 = vector.shape_cast %swap3A_604 : vector<1x16xf32> to vector<16xf32>
        %swap3A_606 = vector.shape_cast %broadcast_in_dim3A_582 : vector<16xf32> to vector<1x16xf32>
        tpu.vector_store %arg7[%swap3A_602, %swap3A_603], %swap3A_606 {strides = array<i32>} : memref<256x128xf32, #tpu.memory_space<vmem>>, vector<1x16xf32>,
        %swap3A_607 = arith.index_cast %add3A_586 : i32 to index
        %swap3A_608 = arith.constant 64 : index
        %swap3A_609 = tpu.vector_load %arg7[%swap3A_607, %swap3A_608] {strides = array<i32>} : memref<256x128xf32, #tpu.memory_space<vmem>>, vector<1x16xf32>,
        %swap3A_610 = vector.shape_cast %swap3A_609 : vector<1x16xf32> to vector<16xf32>
        %swap3A_611 = vector.shape_cast %broadcast_in_dim3A_582 : vector<16xf32> to vector<1x16xf32>
        tpu.vector_store %arg7[%swap3A_607, %swap3A_608], %swap3A_611 {strides = array<i32>} : memref<256x128xf32, #tpu.memory_space<vmem>>, vector<1x16xf32>,
        %swap3A_612 = arith.index_cast %add3A_586 : i32 to index
        %swap3A_613 = arith.constant 80 : index
        %swap3A_614 = tpu.vector_load %arg7[%swap3A_612, %swap3A_613] {strides = array<i32>} : memref<256x128xf32, #tpu.memory_space<vmem>>, vector<1x16xf32>,
        %swap3A_615 = vector.shape_cast %swap3A_614 : vector<1x16xf32> to vector<16xf32>
        %swap3A_616 = vector.shape_cast %broadcast_in_dim3A_582 : vector<16xf32> to vector<1x16xf32>
        tpu.vector_store %arg7[%swap3A_612, %swap3A_613], %swap3A_616 {strides = array<i32>} : memref<256x128xf32, #tpu.memory_space<vmem>>, vector<1x16xf32>,
        %swap3A_617 = arith.index_cast %add3A_586 : i32 to index
        %swap3A_618 = arith.constant 96 : index
        %swap3A_619 = tpu.vector_load %arg7[%swap3A_617, %swap3A_618] {strides = array<i32>} : memref<256x128xf32, #tpu.memory_space<vmem>>, vector<1x16xf32>,
        %swap3A_620 = vector.shape_cast %swap3A_619 : vector<1x16xf32> to vector<16xf32>
        %swap3A_621 = vector.shape_cast %broadcast_in_dim3A_582 : vector<16xf32> to vector<1x16xf32>
        tpu.vector_store %arg7[%swap3A_617, %swap3A_618], %swap3A_621 {strides = array<i32>} : memref<256x128xf32, #tpu.memory_space<vmem>>, vector<1x16xf32>,
        %swap3A_622 = arith.index_cast %add3A_586 : i32 to index
        %swap3A_623 = arith.constant 112 : index
        %swap3A_624 = tpu.vector_load %arg7[%swap3A_622, %swap3A_623] {strides = array<i32>} : memref<256x128xf32, #tpu.memory_space<vmem>>, vector<1x16xf32>,
        %swap3A_625 = vector.shape_cast %swap3A_624 : vector<1x16xf32> to vector<16xf32>
        %swap3A_626 = vector.shape_cast %broadcast_in_dim3A_582 : vector<16xf32> to vector<1x16xf32>
        tpu.vector_store %arg7[%swap3A_622, %swap3A_623], %swap3A_626 {strides = array<i32>} : memref<256x128xf32, #tpu.memory_space<vmem>>, vector<1x16xf32>,
        %slice3A_627 = vector.extract_strided_slice %get3A_207 {offsets = [9], sizes = [1], strides = [1]} : vector<16xf32> to vector<1xf32>
        %squeeze3A_628 = vector.extract %slice3A_627[0] : f32 from vector<1xf32>
        %broadcast_in_dim3A_629 = vector.broadcast %squeeze3A_628 : f32 to vector<16xf32>
        %mul3A_630 = arith.constant 16 : i32
        %mul3A_631 = arith.muli %scan3A_199, %mul3A_630 : i32
        %add3A_632 = arith.constant 9 : i32
        %add3A_633 = arith.addi %mul3A_631, %add3A_632 : i32
        %swap3A_634 = arith.index_cast %add3A_633 : i32 to index
        %swap3A_635 = arith.constant 0 : index
        %swap3A_636 = tpu.vector_load %arg7[%swap3A_634, %swap3A_635] {strides = array<i32>} : memref<256x128xf32, #tpu.memory_space<vmem>>, vector<1x16xf32>,
        %swap3A_637 = vector.shape_cast %swap3A_636 : vector<1x16xf32> to vector<16xf32>
        %swap3A_638 = vector.shape_cast %broadcast_in_dim3A_629 : vector<16xf32> to vector<1x16xf32>
        tpu.vector_store %arg7[%swap3A_634, %swap3A_635], %swap3A_638 {strides = array<i32>} : memref<256x128xf32, #tpu.memory_space<vmem>>, vector<1x16xf32>,
        %swap3A_639 = arith.index_cast %add3A_633 : i32 to index
        %swap3A_640 = arith.constant 16 : index
        %swap3A_641 = tpu.vector_load %arg7[%swap3A_639, %swap3A_640] {strides = array<i32>} : memref<256x128xf32, #tpu.memory_space<vmem>>, vector<1x16xf32>,
        %swap3A_642 = vector.shape_cast %swap3A_641 : vector<1x16xf32> to vector<16xf32>
        %swap3A_643 = vector.shape_cast %broadcast_in_dim3A_629 : vector<16xf32> to vector<1x16xf32>
        tpu.vector_store %arg7[%swap3A_639, %swap3A_640], %swap3A_643 {strides = array<i32>} : memref<256x128xf32, #tpu.memory_space<vmem>>, vector<1x16xf32>,
        %swap3A_644 = arith.index_cast %add3A_633 : i32 to index
        %swap3A_645 = arith.constant 32 : index
        %swap3A_646 = tpu.vector_load %arg7[%swap3A_644, %swap3A_645] {strides = array<i32>} : memref<256x128xf32, #tpu.memory_space<vmem>>, vector<1x16xf32>,
        %swap3A_647 = vector.shape_cast %swap3A_646 : vector<1x16xf32> to vector<16xf32>
        %swap3A_648 = vector.shape_cast %broadcast_in_dim3A_629 : vector<16xf32> to vector<1x16xf32>
        tpu.vector_store %arg7[%swap3A_644, %swap3A_645], %swap3A_648 {strides = array<i32>} : memref<256x128xf32, #tpu.memory_space<vmem>>, vector<1x16xf32>,
        %swap3A_649 = arith.index_cast %add3A_633 : i32 to index
        %swap3A_650 = arith.constant 48 : index
        %swap3A_651 = tpu.vector_load %arg7[%swap3A_649, %swap3A_650] {strides = array<i32>} : memref<256x128xf32, #tpu.memory_space<vmem>>, vector<1x16xf32>,
        %swap3A_652 = vector.shape_cast %swap3A_651 : vector<1x16xf32> to vector<16xf32>
        %swap3A_653 = vector.shape_cast %broadcast_in_dim3A_629 : vector<16xf32> to vector<1x16xf32>
        tpu.vector_store %arg7[%swap3A_649, %swap3A_650], %swap3A_653 {strides = array<i32>} : memref<256x128xf32, #tpu.memory_space<vmem>>, vector<1x16xf32>,
        %swap3A_654 = arith.index_cast %add3A_633 : i32 to index
        %swap3A_655 = arith.constant 64 : index
        %swap3A_656 = tpu.vector_load %arg7[%swap3A_654, %swap3A_655] {strides = array<i32>} : memref<256x128xf32, #tpu.memory_space<vmem>>, vector<1x16xf32>,
        %swap3A_657 = vector.shape_cast %swap3A_656 : vector<1x16xf32> to vector<16xf32>
        %swap3A_658 = vector.shape_cast %broadcast_in_dim3A_629 : vector<16xf32> to vector<1x16xf32>
        tpu.vector_store %arg7[%swap3A_654, %swap3A_655], %swap3A_658 {strides = array<i32>} : memref<256x128xf32, #tpu.memory_space<vmem>>, vector<1x16xf32>,
        %swap3A_659 = arith.index_cast %add3A_633 : i32 to index
        %swap3A_660 = arith.constant 80 : index
        %swap3A_661 = tpu.vector_load %arg7[%swap3A_659, %swap3A_660] {strides = array<i32>} : memref<256x128xf32, #tpu.memory_space<vmem>>, vector<1x16xf32>,
        %swap3A_662 = vector.shape_cast %swap3A_661 : vector<1x16xf32> to vector<16xf32>
        %swap3A_663 = vector.shape_cast %broadcast_in_dim3A_629 : vector<16xf32> to vector<1x16xf32>
        tpu.vector_store %arg7[%swap3A_659, %swap3A_660], %swap3A_663 {strides = array<i32>} : memref<256x128xf32, #tpu.memory_space<vmem>>, vector<1x16xf32>,
        %swap3A_664 = arith.index_cast %add3A_633 : i32 to index
        %swap3A_665 = arith.constant 96 : index
        %swap3A_666 = tpu.vector_load %arg7[%swap3A_664, %swap3A_665] {strides = array<i32>} : memref<256x128xf32, #tpu.memory_space<vmem>>, vector<1x16xf32>,
        %swap3A_667 = vector.shape_cast %swap3A_666 : vector<1x16xf32> to vector<16xf32>
        %swap3A_668 = vector.shape_cast %broadcast_in_dim3A_629 : vector<16xf32> to vector<1x16xf32>
        tpu.vector_store %arg7[%swap3A_664, %swap3A_665], %swap3A_668 {strides = array<i32>} : memref<256x128xf32, #tpu.memory_space<vmem>>, vector<1x16xf32>,
        %swap3A_669 = arith.index_cast %add3A_633 : i32 to index
        %swap3A_670 = arith.constant 112 : index
        %swap3A_671 = tpu.vector_load %arg7[%swap3A_669, %swap3A_670] {strides = array<i32>} : memref<256x128xf32, #tpu.memory_space<vmem>>, vector<1x16xf32>,
        %swap3A_672 = vector.shape_cast %swap3A_671 : vector<1x16xf32> to vector<16xf32>
        %swap3A_673 = vector.shape_cast %broadcast_in_dim3A_629 : vector<16xf32> to vector<1x16xf32>
        tpu.vector_store %arg7[%swap3A_669, %swap3A_670], %swap3A_673 {strides = array<i32>} : memref<256x128xf32, #tpu.memory_space<vmem>>, vector<1x16xf32>,
        %slice3A_674 = vector.extract_strided_slice %get3A_207 {offsets = [10], sizes = [1], strides = [1]} : vector<16xf32> to vector<1xf32>
        %squeeze3A_675 = vector.extract %slice3A_674[0] : f32 from vector<1xf32>
        %broadcast_in_dim3A_676 = vector.broadcast %squeeze3A_675 : f32 to vector<16xf32>
        %mul3A_677 = arith.constant 16 : i32
        %mul3A_678 = arith.muli %scan3A_199, %mul3A_677 : i32
        %add3A_679 = arith.constant 10 : i32
        %add3A_680 = arith.addi %mul3A_678, %add3A_679 : i32
        %swap3A_681 = arith.index_cast %add3A_680 : i32 to index
        %swap3A_682 = arith.constant 0 : index
        %swap3A_683 = tpu.vector_load %arg7[%swap3A_681, %swap3A_682] {strides = array<i32>} : memref<256x128xf32, #tpu.memory_space<vmem>>, vector<1x16xf32>,
        %swap3A_684 = vector.shape_cast %swap3A_683 : vector<1x16xf32> to vector<16xf32>
        %swap3A_685 = vector.shape_cast %broadcast_in_dim3A_676 : vector<16xf32> to vector<1x16xf32>
        tpu.vector_store %arg7[%swap3A_681, %swap3A_682], %swap3A_685 {strides = array<i32>} : memref<256x128xf32, #tpu.memory_space<vmem>>, vector<1x16xf32>,
        %swap3A_686 = arith.index_cast %add3A_680 : i32 to index
        %swap3A_687 = arith.constant 16 : index
        %swap3A_688 = tpu.vector_load %arg7[%swap3A_686, %swap3A_687] {strides = array<i32>} : memref<256x128xf32, #tpu.memory_space<vmem>>, vector<1x16xf32>,
        %swap3A_689 = vector.shape_cast %swap3A_688 : vector<1x16xf32> to vector<16xf32>
        %swap3A_690 = vector.shape_cast %broadcast_in_dim3A_676 : vector<16xf32> to vector<1x16xf32>
        tpu.vector_store %arg7[%swap3A_686, %swap3A_687], %swap3A_690 {strides = array<i32>} : memref<256x128xf32, #tpu.memory_space<vmem>>, vector<1x16xf32>,
        %swap3A_691 = arith.index_cast %add3A_680 : i32 to index
        %swap3A_692 = arith.constant 32 : index
        %swap3A_693 = tpu.vector_load %arg7[%swap3A_691, %swap3A_692] {strides = array<i32>} : memref<256x128xf32, #tpu.memory_space<vmem>>, vector<1x16xf32>,
        %swap3A_694 = vector.shape_cast %swap3A_693 : vector<1x16xf32> to vector<16xf32>
        %swap3A_695 = vector.shape_cast %broadcast_in_dim3A_676 : vector<16xf32> to vector<1x16xf32>
        tpu.vector_store %arg7[%swap3A_691, %swap3A_692], %swap3A_695 {strides = array<i32>} : memref<256x128xf32, #tpu.memory_space<vmem>>, vector<1x16xf32>,
        %swap3A_696 = arith.index_cast %add3A_680 : i32 to index
        %swap3A_697 = arith.constant 48 : index
        %swap3A_698 = tpu.vector_load %arg7[%swap3A_696, %swap3A_697] {strides = array<i32>} : memref<256x128xf32, #tpu.memory_space<vmem>>, vector<1x16xf32>,
        %swap3A_699 = vector.shape_cast %swap3A_698 : vector<1x16xf32> to vector<16xf32>
        %swap3A_700 = vector.shape_cast %broadcast_in_dim3A_676 : vector<16xf32> to vector<1x16xf32>
        tpu.vector_store %arg7[%swap3A_696, %swap3A_697], %swap3A_700 {strides = array<i32>} : memref<256x128xf32, #tpu.memory_space<vmem>>, vector<1x16xf32>,
        %swap3A_701 = arith.index_cast %add3A_680 : i32 to index
        %swap3A_702 = arith.constant 64 : index
        %swap3A_703 = tpu.vector_load %arg7[%swap3A_701, %swap3A_702] {strides = array<i32>} : memref<256x128xf32, #tpu.memory_space<vmem>>, vector<1x16xf32>,
        %swap3A_704 = vector.shape_cast %swap3A_703 : vector<1x16xf32> to vector<16xf32>
        %swap3A_705 = vector.shape_cast %broadcast_in_dim3A_676 : vector<16xf32> to vector<1x16xf32>
        tpu.vector_store %arg7[%swap3A_701, %swap3A_702], %swap3A_705 {strides = array<i32>} : memref<256x128xf32, #tpu.memory_space<vmem>>, vector<1x16xf32>,
        %swap3A_706 = arith.index_cast %add3A_680 : i32 to index
        %swap3A_707 = arith.constant 80 : index
        %swap3A_708 = tpu.vector_load %arg7[%swap3A_706, %swap3A_707] {strides = array<i32>} : memref<256x128xf32, #tpu.memory_space<vmem>>, vector<1x16xf32>,
        %swap3A_709 = vector.shape_cast %swap3A_708 : vector<1x16xf32> to vector<16xf32>
        %swap3A_710 = vector.shape_cast %broadcast_in_dim3A_676 : vector<16xf32> to vector<1x16xf32>
        tpu.vector_store %arg7[%swap3A_706, %swap3A_707], %swap3A_710 {strides = array<i32>} : memref<256x128xf32, #tpu.memory_space<vmem>>, vector<1x16xf32>,
        %swap3A_711 = arith.index_cast %add3A_680 : i32 to index
        %swap3A_712 = arith.constant 96 : index
        %swap3A_713 = tpu.vector_load %arg7[%swap3A_711, %swap3A_712] {strides = array<i32>} : memref<256x128xf32, #tpu.memory_space<vmem>>, vector<1x16xf32>,
        %swap3A_714 = vector.shape_cast %swap3A_713 : vector<1x16xf32> to vector<16xf32>
        %swap3A_715 = vector.shape_cast %broadcast_in_dim3A_676 : vector<16xf32> to vector<1x16xf32>
        tpu.vector_store %arg7[%swap3A_711, %swap3A_712], %swap3A_715 {strides = array<i32>} : memref<256x128xf32, #tpu.memory_space<vmem>>, vector<1x16xf32>,
        %swap3A_716 = arith.index_cast %add3A_680 : i32 to index
        %swap3A_717 = arith.constant 112 : index
        %swap3A_718 = tpu.vector_load %arg7[%swap3A_716, %swap3A_717] {strides = array<i32>} : memref<256x128xf32, #tpu.memory_space<vmem>>, vector<1x16xf32>,
        %swap3A_719 = vector.shape_cast %swap3A_718 : vector<1x16xf32> to vector<16xf32>
        %swap3A_720 = vector.shape_cast %broadcast_in_dim3A_676 : vector<16xf32> to vector<1x16xf32>
        tpu.vector_store %arg7[%swap3A_716, %swap3A_717], %swap3A_720 {strides = array<i32>} : memref<256x128xf32, #tpu.memory_space<vmem>>, vector<1x16xf32>,
        %slice3A_721 = vector.extract_strided_slice %get3A_207 {offsets = [11], sizes = [1], strides = [1]} : vector<16xf32> to vector<1xf32>
        %squeeze3A_722 = vector.extract %slice3A_721[0] : f32 from vector<1xf32>
        %broadcast_in_dim3A_723 = vector.broadcast %squeeze3A_722 : f32 to vector<16xf32>
        %mul3A_724 = arith.constant 16 : i32
        %mul3A_725 = arith.muli %scan3A_199, %mul3A_724 : i32
        %add3A_726 = arith.constant 11 : i32
        %add3A_727 = arith.addi %mul3A_725, %add3A_726 : i32
        %swap3A_728 = arith.index_cast %add3A_727 : i32 to index
        %swap3A_729 = arith.constant 0 : index
        %swap3A_730 = tpu.vector_load %arg7[%swap3A_728, %swap3A_729] {strides = array<i32>} : memref<256x128xf32, #tpu.memory_space<vmem>>, vector<1x16xf32>,
        %swap3A_731 = vector.shape_cast %swap3A_730 : vector<1x16xf32> to vector<16xf32>
        %swap3A_732 = vector.shape_cast %broadcast_in_dim3A_723 : vector<16xf32> to vector<1x16xf32>
        tpu.vector_store %arg7[%swap3A_728, %swap3A_729], %swap3A_732 {strides = array<i32>} : memref<256x128xf32, #tpu.memory_space<vmem>>, vector<1x16xf32>,
        %swap3A_733 = arith.index_cast %add3A_727 : i32 to index
        %swap3A_734 = arith.constant 16 : index
        %swap3A_735 = tpu.vector_load %arg7[%swap3A_733, %swap3A_734] {strides = array<i32>} : memref<256x128xf32, #tpu.memory_space<vmem>>, vector<1x16xf32>,
        %swap3A_736 = vector.shape_cast %swap3A_735 : vector<1x16xf32> to vector<16xf32>
        %swap3A_737 = vector.shape_cast %broadcast_in_dim3A_723 : vector<16xf32> to vector<1x16xf32>
        tpu.vector_store %arg7[%swap3A_733, %swap3A_734], %swap3A_737 {strides = array<i32>} : memref<256x128xf32, #tpu.memory_space<vmem>>, vector<1x16xf32>,
        %swap3A_738 = arith.index_cast %add3A_727 : i32 to index
        %swap3A_739 = arith.constant 32 : index
        %swap3A_740 = tpu.vector_load %arg7[%swap3A_738, %swap3A_739] {strides = array<i32>} : memref<256x128xf32, #tpu.memory_space<vmem>>, vector<1x16xf32>,
        %swap3A_741 = vector.shape_cast %swap3A_740 : vector<1x16xf32> to vector<16xf32>
        %swap3A_742 = vector.shape_cast %broadcast_in_dim3A_723 : vector<16xf32> to vector<1x16xf32>
        tpu.vector_store %arg7[%swap3A_738, %swap3A_739], %swap3A_742 {strides = array<i32>} : memref<256x128xf32, #tpu.memory_space<vmem>>, vector<1x16xf32>,
        %swap3A_743 = arith.index_cast %add3A_727 : i32 to index
        %swap3A_744 = arith.constant 48 : index
        %swap3A_745 = tpu.vector_load %arg7[%swap3A_743, %swap3A_744] {strides = array<i32>} : memref<256x128xf32, #tpu.memory_space<vmem>>, vector<1x16xf32>,
        %swap3A_746 = vector.shape_cast %swap3A_745 : vector<1x16xf32> to vector<16xf32>
        %swap3A_747 = vector.shape_cast %broadcast_in_dim3A_723 : vector<16xf32> to vector<1x16xf32>
        tpu.vector_store %arg7[%swap3A_743, %swap3A_744], %swap3A_747 {strides = array<i32>} : memref<256x128xf32, #tpu.memory_space<vmem>>, vector<1x16xf32>,
        %swap3A_748 = arith.index_cast %add3A_727 : i32 to index
        %swap3A_749 = arith.constant 64 : index
        %swap3A_750 = tpu.vector_load %arg7[%swap3A_748, %swap3A_749] {strides = array<i32>} : memref<256x128xf32, #tpu.memory_space<vmem>>, vector<1x16xf32>,
        %swap3A_751 = vector.shape_cast %swap3A_750 : vector<1x16xf32> to vector<16xf32>
        %swap3A_752 = vector.shape_cast %broadcast_in_dim3A_723 : vector<16xf32> to vector<1x16xf32>
        tpu.vector_store %arg7[%swap3A_748, %swap3A_749], %swap3A_752 {strides = array<i32>} : memref<256x128xf32, #tpu.memory_space<vmem>>, vector<1x16xf32>,
        %swap3A_753 = arith.index_cast %add3A_727 : i32 to index
        %swap3A_754 = arith.constant 80 : index
        %swap3A_755 = tpu.vector_load %arg7[%swap3A_753, %swap3A_754] {strides = array<i32>} : memref<256x128xf32, #tpu.memory_space<vmem>>, vector<1x16xf32>,
        %swap3A_756 = vector.shape_cast %swap3A_755 : vector<1x16xf32> to vector<16xf32>
        %swap3A_757 = vector.shape_cast %broadcast_in_dim3A_723 : vector<16xf32> to vector<1x16xf32>
        tpu.vector_store %arg7[%swap3A_753, %swap3A_754], %swap3A_757 {strides = array<i32>} : memref<256x128xf32, #tpu.memory_space<vmem>>, vector<1x16xf32>,
        %swap3A_758 = arith.index_cast %add3A_727 : i32 to index
        %swap3A_759 = arith.constant 96 : index
        %swap3A_760 = tpu.vector_load %arg7[%swap3A_758, %swap3A_759] {strides = array<i32>} : memref<256x128xf32, #tpu.memory_space<vmem>>, vector<1x16xf32>,
        %swap3A_761 = vector.shape_cast %swap3A_760 : vector<1x16xf32> to vector<16xf32>
        %swap3A_762 = vector.shape_cast %broadcast_in_dim3A_723 : vector<16xf32> to vector<1x16xf32>
        tpu.vector_store %arg7[%swap3A_758, %swap3A_759], %swap3A_762 {strides = array<i32>} : memref<256x128xf32, #tpu.memory_space<vmem>>, vector<1x16xf32>,
        %swap3A_763 = arith.index_cast %add3A_727 : i32 to index
        %swap3A_764 = arith.constant 112 : index
        %swap3A_765 = tpu.vector_load %arg7[%swap3A_763, %swap3A_764] {strides = array<i32>} : memref<256x128xf32, #tpu.memory_space<vmem>>, vector<1x16xf32>,
        %swap3A_766 = vector.shape_cast %swap3A_765 : vector<1x16xf32> to vector<16xf32>
        %swap3A_767 = vector.shape_cast %broadcast_in_dim3A_723 : vector<16xf32> to vector<1x16xf32>
        tpu.vector_store %arg7[%swap3A_763, %swap3A_764], %swap3A_767 {strides = array<i32>} : memref<256x128xf32, #tpu.memory_space<vmem>>, vector<1x16xf32>,
        %slice3A_768 = vector.extract_strided_slice %get3A_207 {offsets = [12], sizes = [1], strides = [1]} : vector<16xf32> to vector<1xf32>
        %squeeze3A_769 = vector.extract %slice3A_768[0] : f32 from vector<1xf32>
        %broadcast_in_dim3A_770 = vector.broadcast %squeeze3A_769 : f32 to vector<16xf32>
        %mul3A_771 = arith.constant 16 : i32
        %mul3A_772 = arith.muli %scan3A_199, %mul3A_771 : i32
        %add3A_773 = arith.constant 12 : i32
        %add3A_774 = arith.addi %mul3A_772, %add3A_773 : i32
        %swap3A_775 = arith.index_cast %add3A_774 : i32 to index
        %swap3A_776 = arith.constant 0 : index
        %swap3A_777 = tpu.vector_load %arg7[%swap3A_775, %swap3A_776] {strides = array<i32>} : memref<256x128xf32, #tpu.memory_space<vmem>>, vector<1x16xf32>,
        %swap3A_778 = vector.shape_cast %swap3A_777 : vector<1x16xf32> to vector<16xf32>
        %swap3A_779 = vector.shape_cast %broadcast_in_dim3A_770 : vector<16xf32> to vector<1x16xf32>
        tpu.vector_store %arg7[%swap3A_775, %swap3A_776], %swap3A_779 {strides = array<i32>} : memref<256x128xf32, #tpu.memory_space<vmem>>, vector<1x16xf32>,
        %swap3A_780 = arith.index_cast %add3A_774 : i32 to index
        %swap3A_781 = arith.constant 16 : index
        %swap3A_782 = tpu.vector_load %arg7[%swap3A_780, %swap3A_781] {strides = array<i32>} : memref<256x128xf32, #tpu.memory_space<vmem>>, vector<1x16xf32>,
        %swap3A_783 = vector.shape_cast %swap3A_782 : vector<1x16xf32> to vector<16xf32>
        %swap3A_784 = vector.shape_cast %broadcast_in_dim3A_770 : vector<16xf32> to vector<1x16xf32>
        tpu.vector_store %arg7[%swap3A_780, %swap3A_781], %swap3A_784 {strides = array<i32>} : memref<256x128xf32, #tpu.memory_space<vmem>>, vector<1x16xf32>,
        %swap3A_785 = arith.index_cast %add3A_774 : i32 to index
        %swap3A_786 = arith.constant 32 : index
        %swap3A_787 = tpu.vector_load %arg7[%swap3A_785, %swap3A_786] {strides = array<i32>} : memref<256x128xf32, #tpu.memory_space<vmem>>, vector<1x16xf32>,
        %swap3A_788 = vector.shape_cast %swap3A_787 : vector<1x16xf32> to vector<16xf32>
        %swap3A_789 = vector.shape_cast %broadcast_in_dim3A_770 : vector<16xf32> to vector<1x16xf32>
        tpu.vector_store %arg7[%swap3A_785, %swap3A_786], %swap3A_789 {strides = array<i32>} : memref<256x128xf32, #tpu.memory_space<vmem>>, vector<1x16xf32>,
        %swap3A_790 = arith.index_cast %add3A_774 : i32 to index
        %swap3A_791 = arith.constant 48 : index
        %swap3A_792 = tpu.vector_load %arg7[%swap3A_790, %swap3A_791] {strides = array<i32>} : memref<256x128xf32, #tpu.memory_space<vmem>>, vector<1x16xf32>,
        %swap3A_793 = vector.shape_cast %swap3A_792 : vector<1x16xf32> to vector<16xf32>
        %swap3A_794 = vector.shape_cast %broadcast_in_dim3A_770 : vector<16xf32> to vector<1x16xf32>
        tpu.vector_store %arg7[%swap3A_790, %swap3A_791], %swap3A_794 {strides = array<i32>} : memref<256x128xf32, #tpu.memory_space<vmem>>, vector<1x16xf32>,
        %swap3A_795 = arith.index_cast %add3A_774 : i32 to index
        %swap3A_796 = arith.constant 64 : index
        %swap3A_797 = tpu.vector_load %arg7[%swap3A_795, %swap3A_796] {strides = array<i32>} : memref<256x128xf32, #tpu.memory_space<vmem>>, vector<1x16xf32>,
        %swap3A_798 = vector.shape_cast %swap3A_797 : vector<1x16xf32> to vector<16xf32>
        %swap3A_799 = vector.shape_cast %broadcast_in_dim3A_770 : vector<16xf32> to vector<1x16xf32>
        tpu.vector_store %arg7[%swap3A_795, %swap3A_796], %swap3A_799 {strides = array<i32>} : memref<256x128xf32, #tpu.memory_space<vmem>>, vector<1x16xf32>,
        %swap3A_800 = arith.index_cast %add3A_774 : i32 to index
        %swap3A_801 = arith.constant 80 : index
        %swap3A_802 = tpu.vector_load %arg7[%swap3A_800, %swap3A_801] {strides = array<i32>} : memref<256x128xf32, #tpu.memory_space<vmem>>, vector<1x16xf32>,
        %swap3A_803 = vector.shape_cast %swap3A_802 : vector<1x16xf32> to vector<16xf32>
        %swap3A_804 = vector.shape_cast %broadcast_in_dim3A_770 : vector<16xf32> to vector<1x16xf32>
        tpu.vector_store %arg7[%swap3A_800, %swap3A_801], %swap3A_804 {strides = array<i32>} : memref<256x128xf32, #tpu.memory_space<vmem>>, vector<1x16xf32>,
        %swap3A_805 = arith.index_cast %add3A_774 : i32 to index
        %swap3A_806 = arith.constant 96 : index
        %swap3A_807 = tpu.vector_load %arg7[%swap3A_805, %swap3A_806] {strides = array<i32>} : memref<256x128xf32, #tpu.memory_space<vmem>>, vector<1x16xf32>,
        %swap3A_808 = vector.shape_cast %swap3A_807 : vector<1x16xf32> to vector<16xf32>
        %swap3A_809 = vector.shape_cast %broadcast_in_dim3A_770 : vector<16xf32> to vector<1x16xf32>
        tpu.vector_store %arg7[%swap3A_805, %swap3A_806], %swap3A_809 {strides = array<i32>} : memref<256x128xf32, #tpu.memory_space<vmem>>, vector<1x16xf32>,
        %swap3A_810 = arith.index_cast %add3A_774 : i32 to index
        %swap3A_811 = arith.constant 112 : index
        %swap3A_812 = tpu.vector_load %arg7[%swap3A_810, %swap3A_811] {strides = array<i32>} : memref<256x128xf32, #tpu.memory_space<vmem>>, vector<1x16xf32>,
        %swap3A_813 = vector.shape_cast %swap3A_812 : vector<1x16xf32> to vector<16xf32>
        %swap3A_814 = vector.shape_cast %broadcast_in_dim3A_770 : vector<16xf32> to vector<1x16xf32>
        tpu.vector_store %arg7[%swap3A_810, %swap3A_811], %swap3A_814 {strides = array<i32>} : memref<256x128xf32, #tpu.memory_space<vmem>>, vector<1x16xf32>,
        %slice3A_815 = vector.extract_strided_slice %get3A_207 {offsets = [13], sizes = [1], strides = [1]} : vector<16xf32> to vector<1xf32>
        %squeeze3A_816 = vector.extract %slice3A_815[0] : f32 from vector<1xf32>
        %broadcast_in_dim3A_817 = vector.broadcast %squeeze3A_816 : f32 to vector<16xf32>
        %mul3A_818 = arith.constant 16 : i32
        %mul3A_819 = arith.muli %scan3A_199, %mul3A_818 : i32
        %add3A_820 = arith.constant 13 : i32
        %add3A_821 = arith.addi %mul3A_819, %add3A_820 : i32
        %swap3A_822 = arith.index_cast %add3A_821 : i32 to index
        %swap3A_823 = arith.constant 0 : index
        %swap3A_824 = tpu.vector_load %arg7[%swap3A_822, %swap3A_823] {strides = array<i32>} : memref<256x128xf32, #tpu.memory_space<vmem>>, vector<1x16xf32>,
        %swap3A_825 = vector.shape_cast %swap3A_824 : vector<1x16xf32> to vector<16xf32>
        %swap3A_826 = vector.shape_cast %broadcast_in_dim3A_817 : vector<16xf32> to vector<1x16xf32>
        tpu.vector_store %arg7[%swap3A_822, %swap3A_823], %swap3A_826 {strides = array<i32>} : memref<256x128xf32, #tpu.memory_space<vmem>>, vector<1x16xf32>,
        %swap3A_827 = arith.index_cast %add3A_821 : i32 to index
        %swap3A_828 = arith.constant 16 : index
        %swap3A_829 = tpu.vector_load %arg7[%swap3A_827, %swap3A_828] {strides = array<i32>} : memref<256x128xf32, #tpu.memory_space<vmem>>, vector<1x16xf32>,
        %swap3A_830 = vector.shape_cast %swap3A_829 : vector<1x16xf32> to vector<16xf32>
        %swap3A_831 = vector.shape_cast %broadcast_in_dim3A_817 : vector<16xf32> to vector<1x16xf32>
        tpu.vector_store %arg7[%swap3A_827, %swap3A_828], %swap3A_831 {strides = array<i32>} : memref<256x128xf32, #tpu.memory_space<vmem>>, vector<1x16xf32>,
        %swap3A_832 = arith.index_cast %add3A_821 : i32 to index
        %swap3A_833 = arith.constant 32 : index
        %swap3A_834 = tpu.vector_load %arg7[%swap3A_832, %swap3A_833] {strides = array<i32>} : memref<256x128xf32, #tpu.memory_space<vmem>>, vector<1x16xf32>,
        %swap3A_835 = vector.shape_cast %swap3A_834 : vector<1x16xf32> to vector<16xf32>
        %swap3A_836 = vector.shape_cast %broadcast_in_dim3A_817 : vector<16xf32> to vector<1x16xf32>
        tpu.vector_store %arg7[%swap3A_832, %swap3A_833], %swap3A_836 {strides = array<i32>} : memref<256x128xf32, #tpu.memory_space<vmem>>, vector<1x16xf32>,
        %swap3A_837 = arith.index_cast %add3A_821 : i32 to index
        %swap3A_838 = arith.constant 48 : index
        %swap3A_839 = tpu.vector_load %arg7[%swap3A_837, %swap3A_838] {strides = array<i32>} : memref<256x128xf32, #tpu.memory_space<vmem>>, vector<1x16xf32>,
        %swap3A_840 = vector.shape_cast %swap3A_839 : vector<1x16xf32> to vector<16xf32>
        %swap3A_841 = vector.shape_cast %broadcast_in_dim3A_817 : vector<16xf32> to vector<1x16xf32>
        tpu.vector_store %arg7[%swap3A_837, %swap3A_838], %swap3A_841 {strides = array<i32>} : memref<256x128xf32, #tpu.memory_space<vmem>>, vector<1x16xf32>,
        %swap3A_842 = arith.index_cast %add3A_821 : i32 to index
        %swap3A_843 = arith.constant 64 : index
        %swap3A_844 = tpu.vector_load %arg7[%swap3A_842, %swap3A_843] {strides = array<i32>} : memref<256x128xf32, #tpu.memory_space<vmem>>, vector<1x16xf32>,
        %swap3A_845 = vector.shape_cast %swap3A_844 : vector<1x16xf32> to vector<16xf32>
        %swap3A_846 = vector.shape_cast %broadcast_in_dim3A_817 : vector<16xf32> to vector<1x16xf32>
        tpu.vector_store %arg7[%swap3A_842, %swap3A_843], %swap3A_846 {strides = array<i32>} : memref<256x128xf32, #tpu.memory_space<vmem>>, vector<1x16xf32>,
        %swap3A_847 = arith.index_cast %add3A_821 : i32 to index
        %swap3A_848 = arith.constant 80 : index
        %swap3A_849 = tpu.vector_load %arg7[%swap3A_847, %swap3A_848] {strides = array<i32>} : memref<256x128xf32, #tpu.memory_space<vmem>>, vector<1x16xf32>,
        %swap3A_850 = vector.shape_cast %swap3A_849 : vector<1x16xf32> to vector<16xf32>
        %swap3A_851 = vector.shape_cast %broadcast_in_dim3A_817 : vector<16xf32> to vector<1x16xf32>
        tpu.vector_store %arg7[%swap3A_847, %swap3A_848], %swap3A_851 {strides = array<i32>} : memref<256x128xf32, #tpu.memory_space<vmem>>, vector<1x16xf32>,
        %swap3A_852 = arith.index_cast %add3A_821 : i32 to index
        %swap3A_853 = arith.constant 96 : index
        %swap3A_854 = tpu.vector_load %arg7[%swap3A_852, %swap3A_853] {strides = array<i32>} : memref<256x128xf32, #tpu.memory_space<vmem>>, vector<1x16xf32>,
        %swap3A_855 = vector.shape_cast %swap3A_854 : vector<1x16xf32> to vector<16xf32>
        %swap3A_856 = vector.shape_cast %broadcast_in_dim3A_817 : vector<16xf32> to vector<1x16xf32>
        tpu.vector_store %arg7[%swap3A_852, %swap3A_853], %swap3A_856 {strides = array<i32>} : memref<256x128xf32, #tpu.memory_space<vmem>>, vector<1x16xf32>,
        %swap3A_857 = arith.index_cast %add3A_821 : i32 to index
        %swap3A_858 = arith.constant 112 : index
        %swap3A_859 = tpu.vector_load %arg7[%swap3A_857, %swap3A_858] {strides = array<i32>} : memref<256x128xf32, #tpu.memory_space<vmem>>, vector<1x16xf32>,
        %swap3A_860 = vector.shape_cast %swap3A_859 : vector<1x16xf32> to vector<16xf32>
        %swap3A_861 = vector.shape_cast %broadcast_in_dim3A_817 : vector<16xf32> to vector<1x16xf32>
        tpu.vector_store %arg7[%swap3A_857, %swap3A_858], %swap3A_861 {strides = array<i32>} : memref<256x128xf32, #tpu.memory_space<vmem>>, vector<1x16xf32>,
        %slice3A_862 = vector.extract_strided_slice %get3A_207 {offsets = [14], sizes = [1], strides = [1]} : vector<16xf32> to vector<1xf32>
        %squeeze3A_863 = vector.extract %slice3A_862[0] : f32 from vector<1xf32>
        %broadcast_in_dim3A_864 = vector.broadcast %squeeze3A_863 : f32 to vector<16xf32>
        %mul3A_865 = arith.constant 16 : i32
        %mul3A_866 = arith.muli %scan3A_199, %mul3A_865 : i32
        %add3A_867 = arith.constant 14 : i32
        %add3A_868 = arith.addi %mul3A_866, %add3A_867 : i32
        %swap3A_869 = arith.index_cast %add3A_868 : i32 to index
        %swap3A_870 = arith.constant 0 : index
        %swap3A_871 = tpu.vector_load %arg7[%swap3A_869, %swap3A_870] {strides = array<i32>} : memref<256x128xf32, #tpu.memory_space<vmem>>, vector<1x16xf32>,
        %swap3A_872 = vector.shape_cast %swap3A_871 : vector<1x16xf32> to vector<16xf32>
        %swap3A_873 = vector.shape_cast %broadcast_in_dim3A_864 : vector<16xf32> to vector<1x16xf32>
        tpu.vector_store %arg7[%swap3A_869, %swap3A_870], %swap3A_873 {strides = array<i32>} : memref<256x128xf32, #tpu.memory_space<vmem>>, vector<1x16xf32>,
        %swap3A_874 = arith.index_cast %add3A_868 : i32 to index
        %swap3A_875 = arith.constant 16 : index
        %swap3A_876 = tpu.vector_load %arg7[%swap3A_874, %swap3A_875] {strides = array<i32>} : memref<256x128xf32, #tpu.memory_space<vmem>>, vector<1x16xf32>,
        %swap3A_877 = vector.shape_cast %swap3A_876 : vector<1x16xf32> to vector<16xf32>
        %swap3A_878 = vector.shape_cast %broadcast_in_dim3A_864 : vector<16xf32> to vector<1x16xf32>
        tpu.vector_store %arg7[%swap3A_874, %swap3A_875], %swap3A_878 {strides = array<i32>} : memref<256x128xf32, #tpu.memory_space<vmem>>, vector<1x16xf32>,
        %swap3A_879 = arith.index_cast %add3A_868 : i32 to index
        %swap3A_880 = arith.constant 32 : index
        %swap3A_881 = tpu.vector_load %arg7[%swap3A_879, %swap3A_880] {strides = array<i32>} : memref<256x128xf32, #tpu.memory_space<vmem>>, vector<1x16xf32>,
        %swap3A_882 = vector.shape_cast %swap3A_881 : vector<1x16xf32> to vector<16xf32>
        %swap3A_883 = vector.shape_cast %broadcast_in_dim3A_864 : vector<16xf32> to vector<1x16xf32>
        tpu.vector_store %arg7[%swap3A_879, %swap3A_880], %swap3A_883 {strides = array<i32>} : memref<256x128xf32, #tpu.memory_space<vmem>>, vector<1x16xf32>,
        %swap3A_884 = arith.index_cast %add3A_868 : i32 to index
        %swap3A_885 = arith.constant 48 : index
        %swap3A_886 = tpu.vector_load %arg7[%swap3A_884, %swap3A_885] {strides = array<i32>} : memref<256x128xf32, #tpu.memory_space<vmem>>, vector<1x16xf32>,
        %swap3A_887 = vector.shape_cast %swap3A_886 : vector<1x16xf32> to vector<16xf32>
        %swap3A_888 = vector.shape_cast %broadcast_in_dim3A_864 : vector<16xf32> to vector<1x16xf32>
        tpu.vector_store %arg7[%swap3A_884, %swap3A_885], %swap3A_888 {strides = array<i32>} : memref<256x128xf32, #tpu.memory_space<vmem>>, vector<1x16xf32>,
        %swap3A_889 = arith.index_cast %add3A_868 : i32 to index
        %swap3A_890 = arith.constant 64 : index
        %swap3A_891 = tpu.vector_load %arg7[%swap3A_889, %swap3A_890] {strides = array<i32>} : memref<256x128xf32, #tpu.memory_space<vmem>>, vector<1x16xf32>,
        %swap3A_892 = vector.shape_cast %swap3A_891 : vector<1x16xf32> to vector<16xf32>
        %swap3A_893 = vector.shape_cast %broadcast_in_dim3A_864 : vector<16xf32> to vector<1x16xf32>
        tpu.vector_store %arg7[%swap3A_889, %swap3A_890], %swap3A_893 {strides = array<i32>} : memref<256x128xf32, #tpu.memory_space<vmem>>, vector<1x16xf32>,
        %swap3A_894 = arith.index_cast %add3A_868 : i32 to index
        %swap3A_895 = arith.constant 80 : index
        %swap3A_896 = tpu.vector_load %arg7[%swap3A_894, %swap3A_895] {strides = array<i32>} : memref<256x128xf32, #tpu.memory_space<vmem>>, vector<1x16xf32>,
        %swap3A_897 = vector.shape_cast %swap3A_896 : vector<1x16xf32> to vector<16xf32>
        %swap3A_898 = vector.shape_cast %broadcast_in_dim3A_864 : vector<16xf32> to vector<1x16xf32>
        tpu.vector_store %arg7[%swap3A_894, %swap3A_895], %swap3A_898 {strides = array<i32>} : memref<256x128xf32, #tpu.memory_space<vmem>>, vector<1x16xf32>,
        %swap3A_899 = arith.index_cast %add3A_868 : i32 to index
        %swap3A_900 = arith.constant 96 : index
        %swap3A_901 = tpu.vector_load %arg7[%swap3A_899, %swap3A_900] {strides = array<i32>} : memref<256x128xf32, #tpu.memory_space<vmem>>, vector<1x16xf32>,
        %swap3A_902 = vector.shape_cast %swap3A_901 : vector<1x16xf32> to vector<16xf32>
        %swap3A_903 = vector.shape_cast %broadcast_in_dim3A_864 : vector<16xf32> to vector<1x16xf32>
        tpu.vector_store %arg7[%swap3A_899, %swap3A_900], %swap3A_903 {strides = array<i32>} : memref<256x128xf32, #tpu.memory_space<vmem>>, vector<1x16xf32>,
        %swap3A_904 = arith.index_cast %add3A_868 : i32 to index
        %swap3A_905 = arith.constant 112 : index
        %swap3A_906 = tpu.vector_load %arg7[%swap3A_904, %swap3A_905] {strides = array<i32>} : memref<256x128xf32, #tpu.memory_space<vmem>>, vector<1x16xf32>,
        %swap3A_907 = vector.shape_cast %swap3A_906 : vector<1x16xf32> to vector<16xf32>
        %swap3A_908 = vector.shape_cast %broadcast_in_dim3A_864 : vector<16xf32> to vector<1x16xf32>
        tpu.vector_store %arg7[%swap3A_904, %swap3A_905], %swap3A_908 {strides = array<i32>} : memref<256x128xf32, #tpu.memory_space<vmem>>, vector<1x16xf32>,
        %slice3A_909 = vector.extract_strided_slice %get3A_207 {offsets = [15], sizes = [1], strides = [1]} : vector<16xf32> to vector<1xf32>
        %squeeze3A_910 = vector.extract %slice3A_909[0] : f32 from vector<1xf32>
        %broadcast_in_dim3A_911 = vector.broadcast %squeeze3A_910 : f32 to vector<16xf32>
        %mul3A_912 = arith.constant 16 : i32
        %mul3A_913 = arith.muli %scan3A_199, %mul3A_912 : i32
        %add3A_914 = arith.constant 15 : i32
        %add3A_915 = arith.addi %mul3A_913, %add3A_914 : i32
        %swap3A_916 = arith.index_cast %add3A_915 : i32 to index
        %swap3A_917 = arith.constant 0 : index
        %swap3A_918 = tpu.vector_load %arg7[%swap3A_916, %swap3A_917] {strides = array<i32>} : memref<256x128xf32, #tpu.memory_space<vmem>>, vector<1x16xf32>,
        %swap3A_919 = vector.shape_cast %swap3A_918 : vector<1x16xf32> to vector<16xf32>
        %swap3A_920 = vector.shape_cast %broadcast_in_dim3A_911 : vector<16xf32> to vector<1x16xf32>
        tpu.vector_store %arg7[%swap3A_916, %swap3A_917], %swap3A_920 {strides = array<i32>} : memref<256x128xf32, #tpu.memory_space<vmem>>, vector<1x16xf32>,
        %swap3A_921 = arith.index_cast %add3A_915 : i32 to index
        %swap3A_922 = arith.constant 16 : index
        %swap3A_923 = tpu.vector_load %arg7[%swap3A_921, %swap3A_922] {strides = array<i32>} : memref<256x128xf32, #tpu.memory_space<vmem>>, vector<1x16xf32>,
        %swap3A_924 = vector.shape_cast %swap3A_923 : vector<1x16xf32> to vector<16xf32>
        %swap3A_925 = vector.shape_cast %broadcast_in_dim3A_911 : vector<16xf32> to vector<1x16xf32>
        tpu.vector_store %arg7[%swap3A_921, %swap3A_922], %swap3A_925 {strides = array<i32>} : memref<256x128xf32, #tpu.memory_space<vmem>>, vector<1x16xf32>,
        %swap3A_926 = arith.index_cast %add3A_915 : i32 to index
        %swap3A_927 = arith.constant 32 : index
        %swap3A_928 = tpu.vector_load %arg7[%swap3A_926, %swap3A_927] {strides = array<i32>} : memref<256x128xf32, #tpu.memory_space<vmem>>, vector<1x16xf32>,
        %swap3A_929 = vector.shape_cast %swap3A_928 : vector<1x16xf32> to vector<16xf32>
        %swap3A_930 = vector.shape_cast %broadcast_in_dim3A_911 : vector<16xf32> to vector<1x16xf32>
        tpu.vector_store %arg7[%swap3A_926, %swap3A_927], %swap3A_930 {strides = array<i32>} : memref<256x128xf32, #tpu.memory_space<vmem>>, vector<1x16xf32>,
        %swap3A_931 = arith.index_cast %add3A_915 : i32 to index
        %swap3A_932 = arith.constant 48 : index
        %swap3A_933 = tpu.vector_load %arg7[%swap3A_931, %swap3A_932] {strides = array<i32>} : memref<256x128xf32, #tpu.memory_space<vmem>>, vector<1x16xf32>,
        %swap3A_934 = vector.shape_cast %swap3A_933 : vector<1x16xf32> to vector<16xf32>
        %swap3A_935 = vector.shape_cast %broadcast_in_dim3A_911 : vector<16xf32> to vector<1x16xf32>
        tpu.vector_store %arg7[%swap3A_931, %swap3A_932], %swap3A_935 {strides = array<i32>} : memref<256x128xf32, #tpu.memory_space<vmem>>, vector<1x16xf32>,
        %swap3A_936 = arith.index_cast %add3A_915 : i32 to index
        %swap3A_937 = arith.constant 64 : index
        %swap3A_938 = tpu.vector_load %arg7[%swap3A_936, %swap3A_937] {strides = array<i32>} : memref<256x128xf32, #tpu.memory_space<vmem>>, vector<1x16xf32>,
        %swap3A_939 = vector.shape_cast %swap3A_938 : vector<1x16xf32> to vector<16xf32>
        %swap3A_940 = vector.shape_cast %broadcast_in_dim3A_911 : vector<16xf32> to vector<1x16xf32>
        tpu.vector_store %arg7[%swap3A_936, %swap3A_937], %swap3A_940 {strides = array<i32>} : memref<256x128xf32, #tpu.memory_space<vmem>>, vector<1x16xf32>,
        %swap3A_941 = arith.index_cast %add3A_915 : i32 to index
        %swap3A_942 = arith.constant 80 : index
        %swap3A_943 = tpu.vector_load %arg7[%swap3A_941, %swap3A_942] {strides = array<i32>} : memref<256x128xf32, #tpu.memory_space<vmem>>, vector<1x16xf32>,
        %swap3A_944 = vector.shape_cast %swap3A_943 : vector<1x16xf32> to vector<16xf32>
        %swap3A_945 = vector.shape_cast %broadcast_in_dim3A_911 : vector<16xf32> to vector<1x16xf32>
        tpu.vector_store %arg7[%swap3A_941, %swap3A_942], %swap3A_945 {strides = array<i32>} : memref<256x128xf32, #tpu.memory_space<vmem>>, vector<1x16xf32>,
        %swap3A_946 = arith.index_cast %add3A_915 : i32 to index
        %swap3A_947 = arith.constant 96 : index
        %swap3A_948 = tpu.vector_load %arg7[%swap3A_946, %swap3A_947] {strides = array<i32>} : memref<256x128xf32, #tpu.memory_space<vmem>>, vector<1x16xf32>,
        %swap3A_949 = vector.shape_cast %swap3A_948 : vector<1x16xf32> to vector<16xf32>
        %swap3A_950 = vector.shape_cast %broadcast_in_dim3A_911 : vector<16xf32> to vector<1x16xf32>
        tpu.vector_store %arg7[%swap3A_946, %swap3A_947], %swap3A_950 {strides = array<i32>} : memref<256x128xf32, #tpu.memory_space<vmem>>, vector<1x16xf32>,
        %swap3A_951 = arith.index_cast %add3A_915 : i32 to index
        %swap3A_952 = arith.constant 112 : index
        %swap3A_953 = tpu.vector_load %arg7[%swap3A_951, %swap3A_952] {strides = array<i32>} : memref<256x128xf32, #tpu.memory_space<vmem>>, vector<1x16xf32>,
        %swap3A_954 = vector.shape_cast %swap3A_953 : vector<1x16xf32> to vector<16xf32>
        %swap3A_955 = vector.shape_cast %broadcast_in_dim3A_911 : vector<16xf32> to vector<1x16xf32>
        tpu.vector_store %arg7[%swap3A_951, %swap3A_952], %swap3A_955 {strides = array<i32>} : memref<256x128xf32, #tpu.memory_space<vmem>>, vector<1x16xf32>,
      }
      %scan3A_177 = arith.constant 16 : i32
      %dma_start3A = arith.constant 0 : i32
      %dma_start3A_178 = arith.constant 0 : i32
      %dma_start3A_179 = tpu.memref_slice %arg3[%add3A_46, %dma_start3A, %dma_start3A_178] : memref<768x256x256xf32, #tpu.memory_space<hbm>> -> memref<1x256x128xf32, #tpu.memory_space<hbm>>
      %dma_start3A_180 = tpu.memref_squeeze %dma_start3A_179 : memref<1x256x128xf32, #tpu.memory_space<hbm>> -> memref<256x128xf32, #tpu.memory_space<hbm>>
      %dma_start3A_181 = arith.constant 0 : i32
      %dma_start3A_182 = arith.constant 0 : i32
      %dma_start3A_183 = tpu.memref_slice %arg3[%add3A_46, %dma_start3A_181, %dma_start3A_182] : memref<768x256x256xf32, #tpu.memory_space<hbm>> -> memref<1x256x128xf32, #tpu.memory_space<hbm>>
      %dma_start3A_184 = tpu.memref_squeeze %dma_start3A_183 : memref<1x256x128xf32, #tpu.memory_space<hbm>> -> memref<256x128xf32, #tpu.memory_space<hbm>>
      tpu.enqueue_dma source(%arg7 : memref<256x128xf32, #tpu.memory_space<vmem>>) target(%dma_start3A_184 : memref<256x128xf32, #tpu.memory_space<hbm>>) target_semaphore(%arg9 : memref<!tpu.dma_semaphore, #tpu.memory_space<semaphore_mem>>)
      %dma_start3A_185 = arith.constant 0 : i32
      %dma_start3A_186 = arith.constant 128 : i32
      %dma_start3A_187 = tpu.memref_slice %arg3[%add3A_46, %dma_start3A_185, %dma_start3A_186] : memref<768x256x256xf32, #tpu.memory_space<hbm>> -> memref<1x256x128xf32, #tpu.memory_space<hbm>>
      %dma_start3A_188 = tpu.memref_squeeze %dma_start3A_187 : memref<1x256x128xf32, #tpu.memory_space<hbm>> -> memref<256x128xf32, #tpu.memory_space<hbm>>
      %dma_start3A_189 = arith.constant 0 : i32
      %dma_start3A_190 = arith.constant 128 : i32
      %dma_start3A_191 = tpu.memref_slice %arg3[%add3A_46, %dma_start3A_189, %dma_start3A_190] : memref<768x256x256xf32, #tpu.memory_space<hbm>> -> memref<1x256x128xf32, #tpu.memory_space<hbm>>
      %dma_start3A_192 = tpu.memref_squeeze %dma_start3A_191 : memref<1x256x128xf32, #tpu.memory_space<hbm>> -> memref<256x128xf32, #tpu.memory_space<hbm>>
      tpu.enqueue_dma source(%arg7 : memref<256x128xf32, #tpu.memory_space<vmem>>) target(%dma_start3A_192 : memref<256x128xf32, #tpu.memory_space<hbm>>) target_semaphore(%arg10 : memref<!tpu.dma_semaphore, #tpu.memory_space<semaphore_mem>>)
      %scan3A_193 = arith.constant 0 : i32
      %scan3A_194 = arith.constant 0 : i32
      %scan3A_195 = arith.constant 32 : i32
      %scan3A_196 = arith.addi %scan3A_194, %scan3A_195 : i32
      %scan3A_197 = arith.constant 1 : i32
      scf.for %scan3A_199 = %scan3A_194 to %scan3A_196 step %scan3A_197  : i32 {
        %mul3A_200 = arith.constant 8 : i32
        %mul3A_201 = arith.muli %scan3A_199, %mul3A_200 : i32
        %dma_wait3A_202 = arith.constant 0 : i32
        %dma_wait3A_203 = tpu.memref_slice %arg3[%add3A_41, %mul3A_201, %dma_wait3A_202] : memref<768x256x256xf32, #tpu.memory_space<hbm>> -> memref<1x8x256xf32, #tpu.memory_space<hbm>>
        %dma_wait3A_204 = tpu.memref_squeeze %dma_wait3A_203 : memref<1x8x256xf32, #tpu.memory_space<hbm>> -> memref<8x256xf32, #tpu.memory_space<hbm>>
        %dma_wait3A_205 = arith.constant 0 : i32
        %dma_wait3A_206 = tpu.memref_slice %arg3[%add3A_41, %mul3A_201, %dma_wait3A_205] : memref<768x256x256xf32, #tpu.memory_space<hbm>> -> memref<1x8x256xf32, #tpu.memory_space<hbm>>
        %dma_wait3A_207 = tpu.memref_squeeze %dma_wait3A_206 : memref<1x8x256xf32, #tpu.memory_space<hbm>> -> memref<8x256xf32, #tpu.memory_space<hbm>>
        tpu.wait_dma2 semaphore(%arg8 : memref<!tpu.dma_semaphore, #tpu.memory_space<semaphore_mem>>) src(%arg6 : memref<8x256xf32, #tpu.memory_space<vmem>>) dst(%dma_wait3A_207 : memref<8x256xf32, #tpu.memory_space<hbm>>)
      }
      %scan3A_198 = arith.constant 32 : i32
    }
    %scan3A_15 = arith.constant 12 : i32
    %mul3A_16 = arith.constant 12 : i32
    %mul3A_17 = arith.muli %add3A, %mul3A_16 : i32
    %add3A_18 = arith.constant 384 : i32
    %add3A_19 = arith.addi %add3A_18, %mul3A_17 : i32
    %add3A_20 = arith.constant 12 : i32
    %add3A_21 = arith.addi %add3A_19, %add3A_20 : i32
    %sub3A = arith.constant 1 : i32
    %sub3A_22 = arith.subi %add3A_21, %sub3A : i32
    %dma_wait3A = arith.constant 0 : i32
    %dma_wait3A_23 = arith.constant 0 : i32
    %dma_wait3A_24 = tpu.memref_slice %arg3[%sub3A_22, %dma_wait3A, %dma_wait3A_23] : memref<768x256x256xf32, #tpu.memory_space<hbm>> -> memref<1x256x128xf32, #tpu.memory_space<hbm>>
    %dma_wait3A_25 = tpu.memref_squeeze %dma_wait3A_24 : memref<1x256x128xf32, #tpu.memory_space<hbm>> -> memref<256x128xf32, #tpu.memory_space<hbm>>
    %dma_wait3A_26 = arith.constant 0 : i32
    %dma_wait3A_27 = arith.constant 0 : i32
    %dma_wait3A_28 = tpu.memref_slice %arg3[%sub3A_22, %dma_wait3A_26, %dma_wait3A_27] : memref<768x256x256xf32, #tpu.memory_space<hbm>> -> memref<1x256x128xf32, #tpu.memory_space<hbm>>
    %dma_wait3A_29 = tpu.memref_squeeze %dma_wait3A_28 : memref<1x256x128xf32, #tpu.memory_space<hbm>> -> memref<256x128xf32, #tpu.memory_space<hbm>>
    tpu.wait_dma2 semaphore(%arg9 : memref<!tpu.dma_semaphore, #tpu.memory_space<semaphore_mem>>) src(%arg7 : memref<256x128xf32, #tpu.memory_space<vmem>>) dst(%dma_wait3A_29 : memref<256x128xf32, #tpu.memory_space<hbm>>)
    %dma_wait3A_30 = arith.constant 0 : i32
    %dma_wait3A_31 = arith.constant 128 : i32
    %dma_wait3A_32 = tpu.memref_slice %arg3[%sub3A_22, %dma_wait3A_30, %dma_wait3A_31] : memref<768x256x256xf32, #tpu.memory_space<hbm>> -> memref<1x256x128xf32, #tpu.memory_space<hbm>>
    %dma_wait3A_33 = tpu.memref_squeeze %dma_wait3A_32 : memref<1x256x128xf32, #tpu.memory_space<hbm>> -> memref<256x128xf32, #tpu.memory_space<hbm>>
    %dma_wait3A_34 = arith.constant 0 : i32
    %dma_wait3A_35 = arith.constant 128 : i32
    %dma_wait3A_36 = tpu.memref_slice %arg3[%sub3A_22, %dma_wait3A_34, %dma_wait3A_35] : memref<768x256x256xf32, #tpu.memory_space<hbm>> -> memref<1x256x128xf32, #tpu.memory_space<hbm>>
    %dma_wait3A_37 = tpu.memref_squeeze %dma_wait3A_36 : memref<1x256x128xf32, #tpu.memory_space<hbm>> -> memref<256x128xf32, #tpu.memory_space<hbm>>
    tpu.wait_dma2 semaphore(%arg10 : memref<!tpu.dma_semaphore, #tpu.memory_space<semaphore_mem>>) src(%arg7 : memref<256x128xf32, #tpu.memory_space<vmem>>) dst(%dma_wait3A_37 : memref<256x128xf32, #tpu.memory_space<hbm>>)
    return
  }
}

</mosaic_0001>

<sc_bundles>
// kernel: _pos_encode.3.cloned.1.call-start
scs
__scs_entry_jumppad:
0x0: {  	(pc) =	sbr.rel $0x88, $3  }
0x1: {  	(tag) =	ssettag $0x0;
	lr =	simm.s32 $0x1  }
0x2: {  	[smem:$0x3FA0] =	sst lr;
	_ =	strace $0xD0000000  }
0x3: {  	_ = 	snop  }
0x4: {  	_ = 	snop  }
0x5: {  	_ = 	snop  }
0x6: {  	_ = 	snop  }
0x7: {  	_ = 	snop  }
__scs_overlays_trampoline_lowered:
0x8: {  	[smem:$0x3FAF] =	sst s0  }
0x9: {  	[smem:$0x3FB0] =	sst s1  }
0xa: {  	[smem:$0x3FB1] =	sst s2  }
0xb: {  	[smem:$0x3FB2] =	sst s3  }
0xc: {  	[smem:$0x3FB3] =	sst s4  }
0xd: {  	[smem:$0x3FB4] =	sst s5  }
0xe: {  	[smem:$0x3FB5] =	sst s6  }
0xf: {  	[smem:$0x3FB6] =	sst s7  }
0x10: {  	[smem:$0x3FB7] =	sst s8  }
0x11: {  	[smem:$0x3FB8] =	sst s9;
	s0 =	simm.s32 @!p0 $0x0  }
0x12: {  	s1 =	sld [smem:$0x3F9E];
	s0 =	simm.s32 @p0 $0x1  }
0x13: {  	[smem:$0x3FB9] =	sst s0;
	s0 =	simm.s32 @!p1 $0x0  }
0x14: {  	s2 =	sld [smem:$0x3F9D];
	s0 =	simm.s32 @p1 $0x1  }
0x15: {  	[smem:$0x3FBA] =	sst s0;
	s0 =	simm.s32 @!p2 $0x0  }
0x16: {  	s3 =	sld [smem:$0x3FDB];
	s0 =	simm.s32 @p2 $0x1  }
0x17: {  	s4 =	simm.s32 $0x1BF5;
	[smem:$0x3FBC] =	sst s0  }
0x18: {  	s0 =	sld [smem:$0x3F9F];
	_ =	swait.ge [sflag:s4], $0x0  }
0x19: {  	s7 =	sld [smem:$0x3FA0]  }
0x1a: {  	s8 =	sadd.s32 $0xFFFFE003, lr  }
0x1b: {  	s9 =	sadd.s32 $0xFFFFFEF7, lr;
	s5 =	simm.s32 $0xFFFFFFFF;
	p2 =	slt.u32 s8, $0xFFFFF086  }
0x1c: {  	p1 =	slt.u32 s9, $0xF7A;
	s5 =	simm.s32 @!p2 $0x0  }
0x1d: {  	s5 =	simm.s32 @p1 $0x1;
	p0 =	seq.s32 s7, s2  }
0x1e: {  	s7 =	smul.u32 @!p0 $0xF7A, s2;
	p2 =	seq.s32 @!p0 s5, $0x0  }
0x1f: {  	s9 =	smul.u32 $0xF7A, s1;
	s8 =	simm.s32 @!p0 $0x1BF5;
	p2 =	por !p2, p0  }
0x20: {  	[sflag:s8] =	ssyncset.s32 @!p0 $0xFFFFF086;
	s6 =	sadd.s32 @!p0 s3, s7;
	s7 =	simm.s32 @!p0 $0x108  }
0x21: {  	s3 =	sadd.s32 s3, s9;
	s6 =	sadd.s32 @!p0 $0x88, s6;
	s7 =	simm.s32 @p2 $0x1082  }
0x22: {  	[simem:s7], [sflag:s8] =	dma.local @!p0 [hbm:s6], $0xF7A  }
0x23: {  	s9 =	sor.u32 $0xD0000000, s2;
	s6 =	simm.s32 $0x108;
	_ =	swait.ge @!p0 [sflag:s8], $0x0  }
0x24: {  	s3 =	sadd.s32 $0x88, s3;
	s6 =	simm.s32 @!p1 $0x1082;
	[sflag:s4] =	ssyncset.s32 $0xFFFFF086  }
0x25: {  	[simem:s6], [sflag:s4] =	dma.local [hbm:s3], $0xF7A  }
0x26: {  	[smem:$0x3FA0] =	sst s1;
	(tag) =	ssettag s2;
	_ =	strace s9  }
0x27: {  	s1 =	sld [smem:$0x3FB0]  }
0x28: {  	s2 =	sld [smem:$0x3FB1]  }
0x29: {  	s4 =	sld [smem:$0x3FB3]  }
0x2a: {  	p0 =	seq.s32 s5, $0x0;
	s5 =	sld [smem:$0x3FB4]  }
0x2b: {  	s6 =	sld [smem:$0x3FB5]  }
0x2c: {  	s7 =	sld [smem:$0x3FB6]  }
0x2d: {  	s3 =	simm.s32 $0x108;
	s8 =	sld [smem:$0x3FB7]  }
0x2e: {  	s3 =	simm.s32 @!p0 $0x1082;
	s9 =	sld [smem:$0x3FB8]  }
0x2f: {  	lr =	sadd.s32 s0, s3;
	s0 =	sld [smem:$0x3FAF]  }
0x30: {  	s3 =	sld [smem:$0x3FB2]  }
0x31: {  	[smem:$0x3FBB] =	sst s10  }
0x32: {  	s10 =	sld [smem:$0x3FB9];
	_ =	sdelay $0x3  }
0x33: {  	p0 =	seq.s32 s10, $0x1;
	s10 =	sld [smem:$0x3FBB];
	_ =	sdelay $0x3  }
0x34: {  	[smem:$0x3FBB] =	sst s10  }
0x35: {  	s10 =	sld [smem:$0x3FBA];
	_ =	sdelay $0x3  }
0x36: {  	p1 =	seq.s32 s10, $0x1;
	s10 =	sld [smem:$0x3FBB];
	_ =	sdelay $0x3  }
0x37: {  	[smem:$0x3FBB] =	sst s10  }
0x38: {  	s10 =	sld [smem:$0x3FBC]  }
0x39: {  	_ = 	snop;
	(pc) =	sbr.ind lr, $3  }
0x3a: {  	_ = 	snop  }
0x3b: {  	_ = 	snop  }
0x3c: {  	p2 =	seq.s32 s10, $0x1;
	s10 =	sld [smem:$0x3FBB]  }
0x3d: {  	_ =	shalt  }
0x3e: {  	_ =	shalt  }
0x3f: {  	_ =	shalt  }
0x40: {  	_ =	shalt  }
0x41: {  	_ =	shalt  }
0x42: {  	_ =	shalt  }
0x43: {  	_ =	shalt  }
0x44: {  	_ =	shalt  }
0x45: {  	_ =	shalt  }
0x46: {  	_ =	shalt  }
0x47: {  	_ =	shalt  }
0x48: {  	_ =	shalt  }
0x49: {  	_ =	shalt  }
0x4a: {  	_ =	shalt  }
0x4b: {  	_ =	shalt  }
0x4c: {  	_ =	shalt  }
0x4d: {  	_ =	shalt  }
0x4e: {  	_ =	shalt  }
0x4f: {  	_ =	shalt  }
0x50: {  	_ =	shalt  }
0x51: {  	_ =	shalt  }
0x52: {  	_ =	shalt  }
0x53: {  	_ =	shalt  }
0x54: {  	_ =	shalt  }
0x55: {  	_ =	shalt  }
0x56: {  	_ =	shalt  }
0x57: {  	_ =	shalt  }
0x58: {  	_ =	shalt  }
0x59: {  	_ =	shalt  }
0x5a: {  	_ =	shalt  }
0x5b: {  	_ =	shalt  }
0x5c: {  	_ =	shalt  }
0x5d: {  	_ =	shalt  }
0x5e: {  	_ =	shalt  }
0x5f: {  	_ =	shalt  }
0x60: {  	_ =	shalt  }
0x61: {  	_ =	shalt  }
0x62: {  	_ =	shalt  }
0x63: {  	_ =	shalt  }
0x64: {  	_ =	shalt  }
0x65: {  	_ =	shalt  }
0x66: {  	_ =	shalt  }
0x67: {  	_ =	shalt  }
0x68: {  	_ =	shalt  }
0x69: {  	_ =	shalt  }
0x6a: {  	_ =	shalt  }
0x6b: {  	_ =	shalt  }
0x6c: {  	_ =	shalt  }
0x6d: {  	_ =	shalt  }
0x6e: {  	_ =	shalt  }
0x6f: {  	_ =	shalt  }
0x70: {  	_ =	shalt  }
0x71: {  	_ =	shalt  }
0x72: {  	_ =	shalt  }
0x73: {  	_ =	shalt  }
0x74: {  	_ =	shalt  }
0x75: {  	_ =	shalt  }
0x76: {  	_ =	shalt  }
0x77: {  	_ =	shalt  }
0x78: {  	_ =	shalt  }
0x79: {  	_ =	shalt  }
0x7a: {  	_ =	shalt  }
0x7b: {  	_ =	shalt  }
0x7c: {  	_ =	shalt  }
0x7d: {  	_ =	shalt  }
0x7e: {  	_ =	shalt  }
0x7f: {  	_ =	shalt  }
0x80: {  	_ =	shalt  }
0x81: {  	_ =	shalt  }
0x82: {  	_ =	shalt  }
0x83: {  	_ =	shalt  }
0x84: {  	_ =	shalt  }
0x85: {  	_ =	shalt  }
0x86: {  	_ =	shalt  }
0x87: {  	_ =	shalt  }
.Lfunc_end0:
.L_simem_size_0:
called_computation_lowered:
.L_overlay_start_0:
0x88: {  	s2 =	sld [smem:$0x3FD9]  }
0x89: {  	s3 =	sld [smem:$0x3FFE];
	_ =	sdelay $0x1  }
0x8a: {  	s1 =	srdreg.scid  }
0x8b: {  	s0 =	sand.u32 $0x1, s1  }
0x8c: {  	s18 =	sshll.u32 s0, $0xA;
	s2 =	sadd.s32 s3, s2  }
0x8d: {  	s2 =	sadd.s32 s2, s18  }
0x8e: {  	[smem:$0x3FC7] =	sst s2  }
0x8f: {  	_ = 	snop  }
0x90: {  	s2 =	sld [smem:$0x3FC9]  }
0x91: {  	s19 =	sld [smem:$0x3FD0];
	(tm) =	ssettm $0x1  }
0x92: {  	s4 =	sld [smem:$0x3FFB];
	_ =	sdelay $0x3  }
0x93: {  	_ =	strace s4  }
0x94: {  	s4 =	sld [smem:$0x3FFC];
	_ =	sdelay $0x3  }
0x95: {  	_ =	strace s4  }
0x96: {  	s4 =	sld [smem:$0x3FFD];
	_ =	sdelay $0x3  }
0x97: {  	_ =	strace s4  }
0x98: {  	_ =	strace $0x8FFFFFFF  }
0x99: {  	s20 =	sld [smem:$0x3FDB];
	_ =	sdelay $0x1  }
0x9a: {  	s5 =	simm.s32 $_scs_section_size  }
0x9b: {  	s6 =	simm.s32 $_size__tile_overlayer_lowered;
	s7 =	simm.s32 $_tile_overlayer_lowered  }
0x9c: {  	s23 =	simm.s32 $0x1BFF;
	s22 =	sshll.u32 s7, $0x1;
	s4 =	sadd.s32 s5, s20  }
0x9d: {  	s8 =	simm.s32 $0x0;
	s21 =	sshll.u32 s6, $0x1;
	s6 =	sadd.s32 s22, s4  }
0x9e: {  	[timem:s8], [sflag:s23] =	dma.local [hbm:s6], s21  }
0x9f: {  	_ =	swait.ge [sflag:s23], s21  }
0xa0: {  	s5 =	ssub.s32 $0x0, s21;
	[sflag:s23] =	ssyncset.done $0x0  }
0xa1: {  	[sflag:s23] =	ssyncadd.s32 s5;
	_ =	sdelay $0x1  }
0xa2: {  	s24 =	simm.s32 $0x1B8B  }
0xa3: {  	_ =	swait.ge [sflag:s24], $0x1  }
0xa4: {  	[sflag:s24] =	ssyncset.done $0x0  }
0xa5: {  	s25 =	simm.s32 $0x1B8E;
	[sflag:s24] =	ssyncadd.s32 $0xFFFFFFFF  }
0xa6: {  	s26 =	simm.s32 $execute0_lowered;
	[smem:$0x3FD2] =	sst s25  }
0xa7: {  	s5 =	sshll.u32 s26, $0x1;
	_ =	strace $0x80000046;
	[dreg:$0x1] =	wrdreg $0xFFFFFFFF  }
0xa8: {  	s28 =	simm.s32 $_size_execute0_lowered;
	s4 =	sadd.s32 s4, s5;
	[dreg:$0x0] =	wrdreg $0x0  }
0xa9: {  	s5 =	sshll.u32 s28, $0x1;
	[dreg:$0x2] =	wrdreg s4  }
0xaa: {  	[dreg:$0x3] =	wrdreg s5  }
0xab: {  	[dreg:$0x4] =	wrdreg $0xC0  }
0xac: {  	_ =	task [dreg:s8], $0x5FFFF  }
0xad: {  	[dreg:$0x1] =	wrdreg $0xFFFFFFFF  }
0xae: {  	[dreg:$0x0] =	wrdreg $0x60  }
0xaf: {  	[dreg:$0x2] =	wrdreg s2  }
0xb0: {  	[dreg:$0x3] =	wrdreg s19  }
0xb1: {  	[dreg:$0x4] =	wrdreg $0x9  }
0xb2: {  	_ =	task.clear_ibuf [dreg:s8], $0x5FFFF;
	_ =	strace $0x90000046  }
0xb3: {  	s29 =	simm.s32 $0x9;
	_ =	strace $0x80000048  }
0xb4: {  	_ =	swait.ge [sflag:s29], $0x1  }
0xb5: {  	[sflag:s29] =	ssyncadd.s32 $0xFFFFFFFF  }
0xb6: {  	_ =	strace $0x90000048  }
0xb7: {  	_ =	sfence  }
0xb8: {  	s30 =	sld [smem:$0x0];
	_ =	sdelay $0x2  }
0xb9: {  	s31 =	sshll.u32 s1, $0xD;
	s1 =	sshrl.u32 s1, $0x2  }
0xba: {  	s3 =	sand.u32 $0x4000, s31;
	s1 =	sadd.s32 s1, s30  }
0xbb: {  	s0 =	sor.u32 s3, s0;
	s1 =	sshll.u32 s1, $0x11  }
0xbc: {  	s0 =	sor.u32 s1, s0  }
0xbd: {  	s0 =	sadd.s32 $0x8F2B, s0  }
0xbe: {  	[sflag:s0] =	ssyncadd.remote.s32 $0x1  }
0xbf: {  	_ =	sfence.sel $0xFFFF  }
0xc0: {  	[dreg:$0x0] =	wrdreg $0xFFFFFFFF;
	(pc) =	sbr.abs _section_cstart, $3  }
0xc1: {  	[dreg:$0x1] =	wrdreg $0xFFFFFFFF  }
0xc2: {  	_ =	task.clear_ibuf [dreg:s8], $0x2FFFF;
	_ =	strace $0x9FFFFFFF  }
0xc3: {  	(tm) =	ssettm $0x7FFFFFFF  }
tec
execute0_lowered:
.L_overlay_start_1:
0x0: {  	(tag) =	ssettag $0x1  }
0x1: {  	s6 =	rddreg [dreg:$0x0]  }
0x2: {  	s1 =	srdreg.scid;
	s0 =	stileid.u32  }
0x3: {  	s2 =	rddreg [dreg:$0x1];
	s3 =	simm.s32 $0x0;
	s12 =	simm.s32 $0x1800  }
0x4: {  	s13 =	simm.s32 $0x400;
	s14 =	simm.s32 $0x800;
	s15 =	simm.s32 $0x2000  }
0x5: {  	s16 =	simm.s32 $0x1;
	s17 =	simm.s32 $0x2;
	s18 =	simm.s32 $0x3  }
0x6: {  	s7 =	sand.u32 $0x1, s1;
	s4 =	sshll.u32 s0, $0x1;
	s29 =	smul.u32 $0x30000, s0  }
0x7: {  	s1 =	rddreg [dreg:$0x2];
	s4 =	sor.u32 s7, s4;
	s11 =	smul.u32 $0x18000, s7  }
0x8: {  	s19 =	simm.s32 $0x0;
	[smem:$0x7FF] =	sst s3;
	s8 =	smul.u32 $0xC, s4  }
0x9: {  	s5 =	ssub.s32 $0x2, s7;
	_ =	strace $0x80000047;
	s10 =	smul.u32 $0x180, s4  }
0xa: {  	s7 =	sadd.s32 $0x80, s2;
	s9 =	sshrl.u32 s5, $0x1;
	s31 =	sadd.s32 s29, s2  }
0xb: {  	s9 =	ssub.s32 s5, s9;
	s4 =	sadd.s32 $0x180, s8;
	s5 =	sadd.s32 s6, s10  }
0xc: {  	s8 =	smax.u32 s9, $0x1;
	s9 =	sadd.s32 s11, s31;
	s30 =	sshll.u32 s4, $0x5  }
0xd: {  	s10 =	simm.s32 $0x4;
	s11 =	simm.s32 $0xC00;
	s6 =	sadd.s32 s6, s30  }
.LBB2_1:
0xe: {  	[tilespmem:s3], [sflag:$0x4] =	stream.linear.gather [hbm4b:s5+s3], $0xC00, $0x38;
	[tilespmem:$0xA000] =	vst v63  }
0xf: {  	_ =	swait.ge [sflag:s10], $0xC00  }
0x10: {  	[sflag:s10] =	ssyncset.done $0x0  }
0x11: {  	[sflag:s10] =	ssyncadd.s32 $0xFFFFF400  }
0x12: {  	[tilespmem:s11], [sflag:$0x4] =	stream.linear.gather [hbm4b:s6+s3], $0xC00, $0x38;
	[tilespmem:$0xA000] =	vst v63  }
0x13: {  	_ =	swait.ge [sflag:s10], $0xC00  }
0x14: {  	[sflag:s10] =	ssyncset.done $0x0  }
0x15: {  	s20 =	smov.u32 s9;
	s21 =	simm.s32 $0x0;
	[sflag:s10] =	ssyncadd.s32 $0xFFFFF400  }
.LBB2_2:
0x16: {  	s23 =	sshll.u32 s21, $0x8  }
0x17: {  	v1 =	vld [tilespmem:s23+$0x0]  }
0x18: {  	v2 =	vld [tilespmem:s23+$0x10]  }
0x19: {  	v3 =	vld [tilespmem:s23+$0x20]  }
0x1a: {  	v4 =	vld [tilespmem:s23+$0x30]  }
0x1b: {  	v5 =	vld [tilespmem:s23+$0x40]  }
0x1c: {  	v6 =	vld [tilespmem:s23+$0x50]  }
0x1d: {  	v7 =	vld [tilespmem:s23+$0x60]  }
0x1e: {  	v8 =	vld [tilespmem:s23+$0x70]  }
0x1f: {  	v9 =	vld [tilespmem:s23+$0x80]  }
0x20: {  	v10 =	vld [tilespmem:s23+$0x90]  }
0x21: {  	v11 =	vld [tilespmem:s23+$0xA0]  }
0x22: {  	v12 =	vld [tilespmem:s23+$0xB0]  }
0x23: {  	v13 =	vld [tilespmem:s23+$0xC0]  }
0x24: {  	v14 =	vld [tilespmem:s23+$0xD0]  }
0x25: {  	v15 =	vld [tilespmem:s23+$0xE0]  }
0x26: {  	v0 =	vld [tilespmem:s23+$0xF0];
	[tilespmem:$0x1800] =	vst v1  }
0x27: {  	[tilespmem:$0x1810] =	vst v2  }
0x28: {  	[tilespmem:$0x1820] =	vst v3  }
0x29: {  	[tilespmem:$0x1830] =	vst v4  }
0x2a: {  	[tilespmem:$0x1840] =	vst v5  }
0x2b: {  	[tilespmem:$0x1850] =	vst v6  }
0x2c: {  	[tilespmem:$0x1860] =	vst v7  }
0x2d: {  	[tilespmem:$0x1870] =	vst v8  }
0x2e: {  	[tilespmem:$0x1C00] =	vst v9  }
0x2f: {  	[tilespmem:$0x1C10] =	vst v10  }
0x30: {  	[tilespmem:$0x1C20] =	vst v11  }
0x31: {  	[tilespmem:$0x1C30] =	vst v12  }
0x32: {  	[tilespmem:$0x1C40] =	vst v13  }
0x33: {  	[tilespmem:$0x1C50] =	vst v14  }
0x34: {  	[tilespmem:$0x1C60] =	vst v15  }
0x35: {  	[tilespmem:$0x1C70] =	vst v0  }
0x36: {  	[tilespmem:$0x1880] =	vst v1  }
0x37: {  	[tilespmem:$0x1890] =	vst v2  }
0x38: {  	[tilespmem:$0x18A0] =	vst v3  }
0x39: {  	[tilespmem:$0x18B0] =	vst v4  }
0x3a: {  	[tilespmem:$0x18C0] =	vst v5  }
0x3b: {  	[tilespmem:$0x18D0] =	vst v6  }
0x3c: {  	[tilespmem:$0x18E0] =	vst v7  }
0x3d: {  	[tilespmem:$0x18F0] =	vst v8  }
0x3e: {  	[tilespmem:$0x1C80] =	vst v9  }
0x3f: {  	[tilespmem:$0x1C90] =	vst v10  }
0x40: {  	[tilespmem:$0x1CA0] =	vst v11  }
0x41: {  	[tilespmem:$0x1CB0] =	vst v12  }
0x42: {  	[tilespmem:$0x1CC0] =	vst v13  }
0x43: {  	[tilespmem:$0x1CD0] =	vst v14  }
0x44: {  	[tilespmem:$0x1CE0] =	vst v15  }
0x45: {  	[tilespmem:$0x1CF0] =	vst v0  }
0x46: {  	[tilespmem:$0x1900] =	vst v1  }
0x47: {  	[tilespmem:$0x1910] =	vst v2  }
0x48: {  	[tilespmem:$0x1920] =	vst v3  }
0x49: {  	[tilespmem:$0x1930] =	vst v4  }
0x4a: {  	[tilespmem:$0x1940] =	vst v5  }
0x4b: {  	[tilespmem:$0x1950] =	vst v6  }
0x4c: {  	[tilespmem:$0x1960] =	vst v7  }
0x4d: {  	[tilespmem:$0x1970] =	vst v8  }
0x4e: {  	[tilespmem:$0x1D00] =	vst v9  }
0x4f: {  	[tilespmem:$0x1D10] =	vst v10  }
0x50: {  	[tilespmem:$0x1D20] =	vst v11  }
0x51: {  	[tilespmem:$0x1D30] =	vst v12  }
0x52: {  	[tilespmem:$0x1D40] =	vst v13  }
0x53: {  	[tilespmem:$0x1D50] =	vst v14  }
0x54: {  	[tilespmem:$0x1D60] =	vst v15  }
0x55: {  	[tilespmem:$0x1D70] =	vst v0  }
0x56: {  	[tilespmem:$0x1980] =	vst v1  }
0x57: {  	[tilespmem:$0x1990] =	vst v2  }
0x58: {  	[tilespmem:$0x19A0] =	vst v3  }
0x59: {  	[tilespmem:$0x19B0] =	vst v4  }
0x5a: {  	[tilespmem:$0x19C0] =	vst v5  }
0x5b: {  	[tilespmem:$0x19D0] =	vst v6  }
0x5c: {  	[tilespmem:$0x19E0] =	vst v7  }
0x5d: {  	[tilespmem:$0x19F0] =	vst v8  }
0x5e: {  	[tilespmem:$0x1D80] =	vst v9  }
0x5f: {  	[tilespmem:$0x1D90] =	vst v10  }
0x60: {  	[tilespmem:$0x1DA0] =	vst v11  }
0x61: {  	[tilespmem:$0x1DB0] =	vst v12  }
0x62: {  	[tilespmem:$0x1DC0] =	vst v13  }
0x63: {  	[tilespmem:$0x1DD0] =	vst v14  }
0x64: {  	[tilespmem:$0x1DE0] =	vst v15  }
0x65: {  	[tilespmem:$0x1DF0] =	vst v0  }
0x66: {  	[tilespmem:$0x1A00] =	vst v1  }
0x67: {  	[tilespmem:$0x1A10] =	vst v2  }
0x68: {  	[tilespmem:$0x1A20] =	vst v3  }
0x69: {  	[tilespmem:$0x1A30] =	vst v4  }
0x6a: {  	[tilespmem:$0x1A40] =	vst v5  }
0x6b: {  	[tilespmem:$0x1A50] =	vst v6  }
0x6c: {  	[tilespmem:$0x1A60] =	vst v7  }
0x6d: {  	[tilespmem:$0x1A70] =	vst v8  }
0x6e: {  	[tilespmem:$0x1E00] =	vst v9  }
0x6f: {  	[tilespmem:$0x1E10] =	vst v10  }
0x70: {  	[tilespmem:$0x1E20] =	vst v11  }
0x71: {  	[tilespmem:$0x1E30] =	vst v12  }
0x72: {  	[tilespmem:$0x1E40] =	vst v13  }
0x73: {  	[tilespmem:$0x1E50] =	vst v14  }
0x74: {  	[tilespmem:$0x1E60] =	vst v15  }
0x75: {  	[tilespmem:$0x1E70] =	vst v0  }
0x76: {  	[tilespmem:$0x1A80] =	vst v1  }
0x77: {  	[tilespmem:$0x1A90] =	vst v2  }
0x78: {  	[tilespmem:$0x1AA0] =	vst v3  }
0x79: {  	[tilespmem:$0x1AB0] =	vst v4  }
0x7a: {  	[tilespmem:$0x1AC0] =	vst v5  }
0x7b: {  	[tilespmem:$0x1AD0] =	vst v6  }
0x7c: {  	[tilespmem:$0x1AE0] =	vst v7  }
0x7d: {  	[tilespmem:$0x1AF0] =	vst v8  }
0x7e: {  	[tilespmem:$0x1E80] =	vst v9  }
0x7f: {  	[tilespmem:$0x1E90] =	vst v10  }
0x80: {  	[tilespmem:$0x1EA0] =	vst v11  }
0x81: {  	[tilespmem:$0x1EB0] =	vst v12  }
0x82: {  	[tilespmem:$0x1EC0] =	vst v13  }
0x83: {  	[tilespmem:$0x1ED0] =	vst v14  }
0x84: {  	[tilespmem:$0x1EE0] =	vst v15  }
0x85: {  	[tilespmem:$0x1EF0] =	vst v0  }
0x86: {  	[tilespmem:$0x1B00] =	vst v1  }
0x87: {  	[tilespmem:$0x1B10] =	vst v2  }
0x88: {  	[tilespmem:$0x1B20] =	vst v3  }
0x89: {  	[tilespmem:$0x1B30] =	vst v4  }
0x8a: {  	[tilespmem:$0x1B40] =	vst v5  }
0x8b: {  	[tilespmem:$0x1B50] =	vst v6  }
0x8c: {  	[tilespmem:$0x1B60] =	vst v7  }
0x8d: {  	[tilespmem:$0x1B70] =	vst v8  }
0x8e: {  	[tilespmem:$0x1F00] =	vst v9  }
0x8f: {  	[tilespmem:$0x1F10] =	vst v10  }
0x90: {  	[tilespmem:$0x1F20] =	vst v11  }
0x91: {  	[tilespmem:$0x1F30] =	vst v12  }
0x92: {  	[tilespmem:$0x1F40] =	vst v13  }
0x93: {  	[tilespmem:$0x1F50] =	vst v14  }
0x94: {  	[tilespmem:$0x1F60] =	vst v15  }
0x95: {  	[tilespmem:$0x1F70] =	vst v0  }
0x96: {  	[tilespmem:$0x1B80] =	vst v1  }
0x97: {  	[tilespmem:$0x1B90] =	vst v2  }
0x98: {  	[tilespmem:$0x1BA0] =	vst v3  }
0x99: {  	[tilespmem:$0x1BB0] =	vst v4  }
0x9a: {  	[tilespmem:$0x1BC0] =	vst v5  }
0x9b: {  	[tilespmem:$0x1BD0] =	vst v6  }
0x9c: {  	[tilespmem:$0x1BE0] =	vst v7  }
0x9d: {  	[tilespmem:$0x1BF0] =	vst v8  }
0x9e: {  	[tilespmem:$0x1F80] =	vst v9  }
0x9f: {  	[tilespmem:$0x1F90] =	vst v10  }
0xa0: {  	[tilespmem:$0x1FA0] =	vst v11  }
0xa1: {  	[tilespmem:$0x1FB0] =	vst v12  }
0xa2: {  	[tilespmem:$0x1FC0] =	vst v13  }
0xa3: {  	[tilespmem:$0x1FD0] =	vst v14  }
0xa4: {  	p0 =	seq.s32 s21, $0x0;
	[tilespmem:$0x1FE0] =	vst v15  }
0xa5: {  	s22 =	simm.s32 @!p0 $0x2;
	[tilespmem:$0x1FF0] =	vst v0  }
0xa6: {  	_ =	swait.ge @!p0 [sflag:s22], $0x8000  }
0xa7: {  	[sflag:s22] =	ssyncset.done @!p0 $0x0  }
0xa8: {  	s24 =	simm.s32 @!p0 $0x3;
	[sflag:s22] =	ssyncadd.s32 @!p0 $0xFFFF8000  }
0xa9: {  	_ =	swait.ge @!p0 [sflag:s24], $0x8000  }
0xaa: {  	s25 =	sadd.s32 $0x0, s20;
	[sflag:s24] =	ssyncset.done @!p0 $0x0  }
0xab: {  	s22 =	sadd.s32 s4, s21;
	[sflag:s24] =	ssyncadd.s32 @!p0 $0xFFFF8000;
	s24 =	simm.s32 $0x100  }
.LBB2_3:
0xac: {  	[hbm4b:s25+s3] =	stream.linear.scatter [tilespmem:s12], [sflag:$0x1], $0x800, $0x38;
	[tilespmem:$0xA000] =	vst v63  }
0xad: {  	s25 =	smov.u32 s24;
	p0 =	seq.s32 s24, $0x1F00  }
.Ltmp0:
0xae: {  	s24 =	sadd.s32 $0x100, s24;
	(pc) =	sbr.rel @!p0 .LBB2_3-.Ltmp0, $2  }
0xaf: {  	_ =	sdelay $0x2  }
0xb0: {  	s25 =	sadd.s32 s25, s20  }
0xb1: {  	[hbm4b:s25+s3] =	stream.linear.scatter [tilespmem:s12], [sflag:$0x1], $0x800, $0x38;
	[tilespmem:$0xA000] =	vst v63  }
0xb2: {  	s31 =	simm.s32 $0x0  }
0xb3: {  	s24 =	sadd.s32 $0xC00, s23;
	s26 =	sand.u32 $0x80, s31  }
0xb4: {  	s25 =	sand.u32 $0x70, s31;
	s26 =	sadd.s32 s26, s24  }
0xb5: {  	s25 =	sadd.s32 s25, s26  }
0xb6: {  	v0 =	vld [tilespmem:s25+$0x0];
	_ =	sdelay $0x4  }
0xb7: {  	v1 =	vbroadcast v0, $0x0  }
0xb8: {  	s23 =	simm.s32 $0x2400  }
0xb9: {  	[tilespmem:s23+$0xFFFFFC00] =	vst v1  }
0xba: {  	[tilespmem:s23+$0xFFFFFC10] =	vst v1  }
0xbb: {  	[tilespmem:s23+$0xFFFFFC20] =	vst v1  }
0xbc: {  	[tilespmem:s23+$0xFFFFFC30] =	vst v1  }
0xbd: {  	[tilespmem:s23+$0xFFFFFC40] =	vst v1  }
0xbe: {  	[tilespmem:s23+$0xFFFFFC50] =	vst v1  }
0xbf: {  	v2 =	vbroadcast v0, $0x1;
	[tilespmem:s23+$0xFFFFFC60] =	vst v1  }
0xc0: {  	[tilespmem:s23+$0xFFFFFC70] =	vst v1  }
0xc1: {  	[tilespmem:s23+$0xFFFFFC80] =	vst v2  }
0xc2: {  	[tilespmem:s23+$0xFFFFFC90] =	vst v2  }
0xc3: {  	[tilespmem:s23+$0xFFFFFCA0] =	vst v2  }
0xc4: {  	[tilespmem:s23+$0xFFFFFCB0] =	vst v2  }
0xc5: {  	[tilespmem:s23+$0xFFFFFCC0] =	vst v2  }
0xc6: {  	[tilespmem:s23+$0xFFFFFCD0] =	vst v2  }
0xc7: {  	v1 =	vbroadcast v0, $0x2;
	[tilespmem:s23+$0xFFFFFCE0] =	vst v2  }
0xc8: {  	[tilespmem:s23+$0xFFFFFCF0] =	vst v2  }
0xc9: {  	[tilespmem:s23+$0xFFFFFD00] =	vst v1  }
0xca: {  	[tilespmem:s23+$0xFFFFFD10] =	vst v1  }
0xcb: {  	[tilespmem:s23+$0xFFFFFD20] =	vst v1  }
0xcc: {  	[tilespmem:s23+$0xFFFFFD30] =	vst v1  }
0xcd: {  	[tilespmem:s23+$0xFFFFFD40] =	vst v1  }
0xce: {  	[tilespmem:s23+$0xFFFFFD50] =	vst v1  }
0xcf: {  	v2 =	vbroadcast v0, $0x3;
	[tilespmem:s23+$0xFFFFFD60] =	vst v1  }
0xd0: {  	[tilespmem:s23+$0xFFFFFD70] =	vst v1  }
0xd1: {  	[tilespmem:s23+$0xFFFFFD80] =	vst v2  }
0xd2: {  	[tilespmem:s23+$0xFFFFFD90] =	vst v2  }
0xd3: {  	[tilespmem:s23+$0xFFFFFDA0] =	vst v2  }
0xd4: {  	[tilespmem:s23+$0xFFFFFDB0] =	vst v2  }
0xd5: {  	[tilespmem:s23+$0xFFFFFDC0] =	vst v2  }
0xd6: {  	[tilespmem:s23+$0xFFFFFDD0] =	vst v2  }
0xd7: {  	v1 =	vbroadcast v0, $0x4;
	[tilespmem:s23+$0xFFFFFDE0] =	vst v2  }
0xd8: {  	[tilespmem:s23+$0xFFFFFDF0] =	vst v2  }
0xd9: {  	[tilespmem:s23+$0xFFFFFE00] =	vst v1  }
0xda: {  	[tilespmem:s23+$0xFFFFFE10] =	vst v1  }
0xdb: {  	[tilespmem:s23+$0xFFFFFE20] =	vst v1  }
0xdc: {  	[tilespmem:s23+$0xFFFFFE30] =	vst v1  }
0xdd: {  	[tilespmem:s23+$0xFFFFFE40] =	vst v1  }
0xde: {  	[tilespmem:s23+$0xFFFFFE50] =	vst v1  }
0xdf: {  	v2 =	vbroadcast v0, $0x5;
	[tilespmem:s23+$0xFFFFFE60] =	vst v1  }
0xe0: {  	[tilespmem:s23+$0xFFFFFE70] =	vst v1  }
0xe1: {  	[tilespmem:s23+$0xFFFFFE80] =	vst v2  }
0xe2: {  	[tilespmem:s23+$0xFFFFFE90] =	vst v2  }
0xe3: {  	[tilespmem:s23+$0xFFFFFEA0] =	vst v2  }
0xe4: {  	[tilespmem:s23+$0xFFFFFEB0] =	vst v2  }
0xe5: {  	[tilespmem:s23+$0xFFFFFEC0] =	vst v2  }
0xe6: {  	[tilespmem:s23+$0xFFFFFED0] =	vst v2  }
0xe7: {  	v1 =	vbroadcast v0, $0x6;
	[tilespmem:s23+$0xFFFFFEE0] =	vst v2  }
0xe8: {  	[tilespmem:s23+$0xFFFFFEF0] =	vst v2  }
0xe9: {  	[tilespmem:s23+$0xFFFFFF00] =	vst v1  }
0xea: {  	[tilespmem:s23+$0xFFFFFF10] =	vst v1  }
0xeb: {  	[tilespmem:s23+$0xFFFFFF20] =	vst v1  }
0xec: {  	[tilespmem:s23+$0xFFFFFF30] =	vst v1  }
0xed: {  	[tilespmem:s23+$0xFFFFFF40] =	vst v1  }
0xee: {  	[tilespmem:s23+$0xFFFFFF50] =	vst v1  }
0xef: {  	v2 =	vbroadcast v0, $0x7;
	[tilespmem:s23+$0xFFFFFF60] =	vst v1  }
0xf0: {  	[tilespmem:s23+$0xFFFFFF70] =	vst v1  }
0xf1: {  	[tilespmem:s23+$0xFFFFFF80] =	vst v2  }
0xf2: {  	[tilespmem:s23+$0xFFFFFF90] =	vst v2  }
0xf3: {  	[tilespmem:s23+$0xFFFFFFA0] =	vst v2  }
0xf4: {  	[tilespmem:s23+$0xFFFFFFB0] =	vst v2  }
0xf5: {  	[tilespmem:s23+$0xFFFFFFC0] =	vst v2  }
0xf6: {  	[tilespmem:s23+$0xFFFFFFD0] =	vst v2  }
0xf7: {  	v1 =	vbroadcast v0, $0x8;
	[tilespmem:s23+$0xFFFFFFE0] =	vst v2  }
0xf8: {  	[tilespmem:s23+$0xFFFFFFF0] =	vst v2  }
0xf9: {  	[tilespmem:s23+$0x0] =	vst v1  }
0xfa: {  	[tilespmem:s23+$0x10] =	vst v1  }
0xfb: {  	[tilespmem:s23+$0x20] =	vst v1  }
0xfc: {  	[tilespmem:s23+$0x30] =	vst v1  }
0xfd: {  	[tilespmem:s23+$0x40] =	vst v1  }
0xfe: {  	[tilespmem:s23+$0x50] =	vst v1  }
0xff: {  	v2 =	vbroadcast v0, $0x9;
	[tilespmem:s23+$0x60] =	vst v1  }
0x100: {  	[tilespmem:s23+$0x70] =	vst v1  }
0x101: {  	[tilespmem:s23+$0x80] =	vst v2  }
0x102: {  	[tilespmem:s23+$0x90] =	vst v2  }
0x103: {  	[tilespmem:s23+$0xA0] =	vst v2  }
0x104: {  	[tilespmem:s23+$0xB0] =	vst v2  }
0x105: {  	[tilespmem:s23+$0xC0] =	vst v2  }
0x106: {  	[tilespmem:s23+$0xD0] =	vst v2  }
0x107: {  	v1 =	vbroadcast v0, $0xA;
	[tilespmem:s23+$0xE0] =	vst v2  }
0x108: {  	[tilespmem:s23+$0xF0] =	vst v2  }
0x109: {  	[tilespmem:s23+$0x100] =	vst v1  }
0x10a: {  	[tilespmem:s23+$0x110] =	vst v1  }
0x10b: {  	[tilespmem:s23+$0x120] =	vst v1  }
0x10c: {  	[tilespmem:s23+$0x130] =	vst v1  }
0x10d: {  	[tilespmem:s23+$0x140] =	vst v1  }
0x10e: {  	[tilespmem:s23+$0x150] =	vst v1  }
0x10f: {  	v2 =	vbroadcast v0, $0xB;
	[tilespmem:s23+$0x160] =	vst v1  }
0x110: {  	[tilespmem:s23+$0x170] =	vst v1  }
0x111: {  	[tilespmem:s23+$0x180] =	vst v2  }
0x112: {  	[tilespmem:s23+$0x190] =	vst v2  }
0x113: {  	[tilespmem:s23+$0x1A0] =	vst v2  }
0x114: {  	[tilespmem:s23+$0x1B0] =	vst v2  }
0x115: {  	[tilespmem:s23+$0x1C0] =	vst v2  }
0x116: {  	[tilespmem:s23+$0x1D0] =	vst v2  }
0x117: {  	v1 =	vbroadcast v0, $0xC;
	[tilespmem:s23+$0x1E0] =	vst v2  }
0x118: {  	[tilespmem:s23+$0x1F0] =	vst v2  }
0x119: {  	[tilespmem:s23+$0x200] =	vst v1  }
0x11a: {  	[tilespmem:s23+$0x210] =	vst v1  }
0x11b: {  	[tilespmem:s23+$0x220] =	vst v1  }
0x11c: {  	[tilespmem:s23+$0x230] =	vst v1  }
0x11d: {  	[tilespmem:s23+$0x240] =	vst v1  }
0x11e: {  	[tilespmem:s23+$0x250] =	vst v1  }
0x11f: {  	v2 =	vbroadcast v0, $0xD;
	[tilespmem:s23+$0x260] =	vst v1  }
0x120: {  	[tilespmem:s23+$0x270] =	vst v1  }
0x121: {  	[tilespmem:s23+$0x280] =	vst v2  }
0x122: {  	[tilespmem:s23+$0x290] =	vst v2  }
0x123: {  	[tilespmem:s23+$0x2A0] =	vst v2  }
0x124: {  	[tilespmem:s23+$0x2B0] =	vst v2  }
0x125: {  	[tilespmem:s23+$0x2C0] =	vst v2  }
0x126: {  	[tilespmem:s23+$0x2D0] =	vst v2  }
0x127: {  	v1 =	vbroadcast v0, $0xE;
	[tilespmem:s23+$0x2E0] =	vst v2  }
0x128: {  	[tilespmem:s23+$0x2F0] =	vst v2  }
0x129: {  	[tilespmem:s23+$0x300] =	vst v1  }
0x12a: {  	[tilespmem:s23+$0x310] =	vst v1  }
0x12b: {  	[tilespmem:s23+$0x320] =	vst v1  }
0x12c: {  	[tilespmem:s23+$0x330] =	vst v1  }
0x12d: {  	[tilespmem:s23+$0x340] =	vst v1  }
0x12e: {  	[tilespmem:s23+$0x350] =	vst v1  }
0x12f: {  	v0 =	vbroadcast v0, $0xF;
	[tilespmem:s23+$0x360] =	vst v1  }
0x130: {  	[tilespmem:s23+$0x370] =	vst v1  }
0x131: {  	[tilespmem:s23+$0x380] =	vst v0  }
0x132: {  	[tilespmem:s23+$0x390] =	vst v0  }
0x133: {  	[tilespmem:s23+$0x3A0] =	vst v0  }
0x134: {  	[tilespmem:s23+$0x3B0] =	vst v0  }
0x135: {  	s26 =	simm.s32 $0x10;
	[tilespmem:s23+$0x3C0] =	vst v0  }
0x136: {  	s28 =	sand.u32 $0x80, s26;
	s25 =	simm.s32 $0x20;
	[tilespmem:s23+$0x3D0] =	vst v0  }
.LBB2_5:
0x137: {  	p0 =	sne.s32 s25, $0xF0;
	s26 =	sand.u32 $0x70, s26;
	s28 =	sadd.s32 s28, s24;
	[tilespmem:s23+$0x3E0] =	vst v0  }
0x138: {  	s28 =	sadd.s32 s26, s28;
	[tilespmem:s23+$0x3F0] =	vst v0;
	s26 =	smov.u32 s25  }
0x139: {  	v0 =	vld [tilespmem:s28+$0x0];
	_ =	sdelay $0x4  }
0x13a: {  	v9 =	vbroadcast v0, $0x0;
	v10 =	vbroadcast v0, $0x1  }
0x13b: {  	s23 =	sadd.s32 $0x800, s23;
	v11 =	vbroadcast v0, $0x2;
	v12 =	vbroadcast v0, $0x3  }
0x13c: {  	v13 =	vbroadcast v0, $0x4;
	v14 =	vbroadcast v0, $0x5;
	[tilespmem:s23+$0xFFFFFC00] =	vst v9  }
0x13d: {  	v15 =	vbroadcast v0, $0x6;
	v8 =	vbroadcast v0, $0x7;
	[tilespmem:s23+$0xFFFFFC10] =	vst v9  }
0x13e: {  	v7 =	vbroadcast v0, $0x8;
	v6 =	vbroadcast v0, $0x9;
	[tilespmem:s23+$0xFFFFFC20] =	vst v9  }
0x13f: {  	v5 =	vbroadcast v0, $0xA;
	v4 =	vbroadcast v0, $0xB;
	[tilespmem:s23+$0xFFFFFC30] =	vst v9  }
0x140: {  	v3 =	vbroadcast v0, $0xC;
	v2 =	vbroadcast v0, $0xD;
	[tilespmem:s23+$0xFFFFFC40] =	vst v9  }
0x141: {  	v1 =	vbroadcast v0, $0xE;
	v0 =	vbroadcast v0, $0xF;
	[tilespmem:s23+$0xFFFFFC50] =	vst v9  }
0x142: {  	[tilespmem:s23+$0xFFFFFC60] =	vst v9  }
0x143: {  	[tilespmem:s23+$0xFFFFFC70] =	vst v9  }
0x144: {  	[tilespmem:s23+$0xFFFFFC80] =	vst v10  }
0x145: {  	[tilespmem:s23+$0xFFFFFC90] =	vst v10  }
0x146: {  	[tilespmem:s23+$0xFFFFFCA0] =	vst v10  }
0x147: {  	[tilespmem:s23+$0xFFFFFCB0] =	vst v10  }
0x148: {  	[tilespmem:s23+$0xFFFFFCC0] =	vst v10  }
0x149: {  	[tilespmem:s23+$0xFFFFFCD0] =	vst v10  }
0x14a: {  	[tilespmem:s23+$0xFFFFFCE0] =	vst v10  }
0x14b: {  	[tilespmem:s23+$0xFFFFFCF0] =	vst v10  }
0x14c: {  	[tilespmem:s23+$0xFFFFFD00] =	vst v11  }
0x14d: {  	[tilespmem:s23+$0xFFFFFD10] =	vst v11  }
0x14e: {  	[tilespmem:s23+$0xFFFFFD20] =	vst v11  }
0x14f: {  	[tilespmem:s23+$0xFFFFFD30] =	vst v11  }
0x150: {  	[tilespmem:s23+$0xFFFFFD40] =	vst v11  }
0x151: {  	[tilespmem:s23+$0xFFFFFD50] =	vst v11  }
0x152: {  	[tilespmem:s23+$0xFFFFFD60] =	vst v11  }
0x153: {  	[tilespmem:s23+$0xFFFFFD70] =	vst v11  }
0x154: {  	[tilespmem:s23+$0xFFFFFD80] =	vst v12  }
0x155: {  	[tilespmem:s23+$0xFFFFFD90] =	vst v12  }
0x156: {  	[tilespmem:s23+$0xFFFFFDA0] =	vst v12  }
0x157: {  	[tilespmem:s23+$0xFFFFFDB0] =	vst v12  }
0x158: {  	[tilespmem:s23+$0xFFFFFDC0] =	vst v12  }
0x159: {  	[tilespmem:s23+$0xFFFFFDD0] =	vst v12  }
0x15a: {  	[tilespmem:s23+$0xFFFFFDE0] =	vst v12  }
0x15b: {  	[tilespmem:s23+$0xFFFFFDF0] =	vst v12  }
0x15c: {  	[tilespmem:s23+$0xFFFFFE00] =	vst v13  }
0x15d: {  	[tilespmem:s23+$0xFFFFFE10] =	vst v13  }
0x15e: {  	[tilespmem:s23+$0xFFFFFE20] =	vst v13  }
0x15f: {  	[tilespmem:s23+$0xFFFFFE30] =	vst v13  }
0x160: {  	[tilespmem:s23+$0xFFFFFE40] =	vst v13  }
0x161: {  	[tilespmem:s23+$0xFFFFFE50] =	vst v13  }
0x162: {  	[tilespmem:s23+$0xFFFFFE60] =	vst v13  }
0x163: {  	[tilespmem:s23+$0xFFFFFE70] =	vst v13  }
0x164: {  	[tilespmem:s23+$0xFFFFFE80] =	vst v14  }
0x165: {  	[tilespmem:s23+$0xFFFFFE90] =	vst v14  }
0x166: {  	[tilespmem:s23+$0xFFFFFEA0] =	vst v14  }
0x167: {  	[tilespmem:s23+$0xFFFFFEB0] =	vst v14  }
0x168: {  	[tilespmem:s23+$0xFFFFFEC0] =	vst v14  }
0x169: {  	[tilespmem:s23+$0xFFFFFED0] =	vst v14  }
0x16a: {  	[tilespmem:s23+$0xFFFFFEE0] =	vst v14  }
0x16b: {  	[tilespmem:s23+$0xFFFFFEF0] =	vst v14  }
0x16c: {  	[tilespmem:s23+$0xFFFFFF00] =	vst v15  }
0x16d: {  	[tilespmem:s23+$0xFFFFFF10] =	vst v15  }
0x16e: {  	[tilespmem:s23+$0xFFFFFF20] =	vst v15  }
0x16f: {  	[tilespmem:s23+$0xFFFFFF30] =	vst v15  }
0x170: {  	[tilespmem:s23+$0xFFFFFF40] =	vst v15  }
0x171: {  	[tilespmem:s23+$0xFFFFFF50] =	vst v15  }
0x172: {  	[tilespmem:s23+$0xFFFFFF60] =	vst v15  }
0x173: {  	[tilespmem:s23+$0xFFFFFF70] =	vst v15  }
0x174: {  	[tilespmem:s23+$0xFFFFFF80] =	vst v8  }
0x175: {  	[tilespmem:s23+$0xFFFFFF90] =	vst v8  }
0x176: {  	[tilespmem:s23+$0xFFFFFFA0] =	vst v8  }
0x177: {  	[tilespmem:s23+$0xFFFFFFB0] =	vst v8  }
0x178: {  	[tilespmem:s23+$0xFFFFFFC0] =	vst v8  }
0x179: {  	[tilespmem:s23+$0xFFFFFFD0] =	vst v8  }
0x17a: {  	[tilespmem:s23+$0xFFFFFFE0] =	vst v8  }
0x17b: {  	[tilespmem:s23+$0xFFFFFFF0] =	vst v8  }
0x17c: {  	[tilespmem:s23+$0x0] =	vst v7  }
0x17d: {  	[tilespmem:s23+$0x10] =	vst v7  }
0x17e: {  	[tilespmem:s23+$0x20] =	vst v7  }
0x17f: {  	[tilespmem:s23+$0x30] =	vst v7  }
0x180: {  	[tilespmem:s23+$0x40] =	vst v7  }
0x181: {  	[tilespmem:s23+$0x50] =	vst v7  }
0x182: {  	[tilespmem:s23+$0x60] =	vst v7  }
0x183: {  	[tilespmem:s23+$0x70] =	vst v7  }
0x184: {  	[tilespmem:s23+$0x80] =	vst v6  }
0x185: {  	[tilespmem:s23+$0x90] =	vst v6  }
0x186: {  	[tilespmem:s23+$0xA0] =	vst v6  }
0x187: {  	[tilespmem:s23+$0xB0] =	vst v6  }
0x188: {  	[tilespmem:s23+$0xC0] =	vst v6  }
0x189: {  	[tilespmem:s23+$0xD0] =	vst v6  }
0x18a: {  	[tilespmem:s23+$0xE0] =	vst v6  }
0x18b: {  	[tilespmem:s23+$0xF0] =	vst v6  }
0x18c: {  	[tilespmem:s23+$0x100] =	vst v5  }
0x18d: {  	[tilespmem:s23+$0x110] =	vst v5  }
0x18e: {  	[tilespmem:s23+$0x120] =	vst v5  }
0x18f: {  	[tilespmem:s23+$0x130] =	vst v5  }
0x190: {  	[tilespmem:s23+$0x140] =	vst v5  }
0x191: {  	[tilespmem:s23+$0x150] =	vst v5  }
0x192: {  	[tilespmem:s23+$0x160] =	vst v5  }
0x193: {  	[tilespmem:s23+$0x170] =	vst v5  }
0x194: {  	[tilespmem:s23+$0x180] =	vst v4  }
0x195: {  	[tilespmem:s23+$0x190] =	vst v4  }
0x196: {  	[tilespmem:s23+$0x1A0] =	vst v4  }
0x197: {  	[tilespmem:s23+$0x1B0] =	vst v4  }
0x198: {  	[tilespmem:s23+$0x1C0] =	vst v4  }
0x199: {  	[tilespmem:s23+$0x1D0] =	vst v4  }
0x19a: {  	[tilespmem:s23+$0x1E0] =	vst v4  }
0x19b: {  	[tilespmem:s23+$0x1F0] =	vst v4  }
0x19c: {  	[tilespmem:s23+$0x200] =	vst v3  }
0x19d: {  	[tilespmem:s23+$0x210] =	vst v3  }
0x19e: {  	[tilespmem:s23+$0x220] =	vst v3  }
0x19f: {  	[tilespmem:s23+$0x230] =	vst v3  }
0x1a0: {  	[tilespmem:s23+$0x240] =	vst v3  }
0x1a1: {  	[tilespmem:s23+$0x250] =	vst v3  }
0x1a2: {  	[tilespmem:s23+$0x260] =	vst v3  }
0x1a3: {  	[tilespmem:s23+$0x270] =	vst v3  }
0x1a4: {  	[tilespmem:s23+$0x280] =	vst v2  }
0x1a5: {  	[tilespmem:s23+$0x290] =	vst v2  }
0x1a6: {  	[tilespmem:s23+$0x2A0] =	vst v2  }
0x1a7: {  	[tilespmem:s23+$0x2B0] =	vst v2  }
0x1a8: {  	[tilespmem:s23+$0x2C0] =	vst v2  }
0x1a9: {  	[tilespmem:s23+$0x2D0] =	vst v2  }
0x1aa: {  	[tilespmem:s23+$0x2E0] =	vst v2  }
0x1ab: {  	[tilespmem:s23+$0x2F0] =	vst v2  }
0x1ac: {  	[tilespmem:s23+$0x300] =	vst v1  }
0x1ad: {  	[tilespmem:s23+$0x310] =	vst v1  }
0x1ae: {  	[tilespmem:s23+$0x320] =	vst v1  }
0x1af: {  	[tilespmem:s23+$0x330] =	vst v1  }
0x1b0: {  	[tilespmem:s23+$0x340] =	vst v1  }
0x1b1: {  	[tilespmem:s23+$0x350] =	vst v1  }
0x1b2: {  	[tilespmem:s23+$0x360] =	vst v1  }
0x1b3: {  	[tilespmem:s23+$0x370] =	vst v1  }
0x1b4: {  	[tilespmem:s23+$0x380] =	vst v0  }
.Ltmp1:
0x1b5: {  	[tilespmem:s23+$0x390] =	vst v0;
	(pc) =	sbr.rel @p0 .LBB2_5-.Ltmp1, $4  }
0x1b6: {  	[tilespmem:s23+$0x3A0] =	vst v0  }
0x1b7: {  	[tilespmem:s23+$0x3B0] =	vst v0  }
0x1b8: {  	[tilespmem:s23+$0x3C0] =	vst v0  }
0x1b9: {  	s25 =	sadd.s32 $0x10, s25;
	s28 =	sand.u32 $0x80, s26;
	[tilespmem:s23+$0x3D0] =	vst v0  }
0x1ba: {  	s25 =	sand.u32 $0x70, s26;
	s24 =	sadd.s32 s28, s24;
	[tilespmem:s23+$0x3E0] =	vst v0  }
0x1bb: {  	[tilespmem:s23+$0x3F0] =	vst v0;
	s24 =	sadd.s32 s25, s24  }
0x1bc: {  	v0 =	vld [tilespmem:s24+$0x0];
	_ =	sdelay $0x4  }
0x1bd: {  	v1 =	vbroadcast v0, $0x0  }
0x1be: {  	s30 =	sadd.s32 $0x800, s23  }
0x1bf: {  	[tilespmem:s30+$0xFFFFFC00] =	vst v1  }
0x1c0: {  	[tilespmem:s30+$0xFFFFFC10] =	vst v1  }
0x1c1: {  	[tilespmem:s30+$0xFFFFFC20] =	vst v1  }
0x1c2: {  	[tilespmem:s30+$0xFFFFFC30] =	vst v1  }
0x1c3: {  	[tilespmem:s30+$0xFFFFFC40] =	vst v1  }
0x1c4: {  	[tilespmem:s30+$0xFFFFFC50] =	vst v1  }
0x1c5: {  	v2 =	vbroadcast v0, $0x1;
	[tilespmem:s30+$0xFFFFFC60] =	vst v1  }
0x1c6: {  	[tilespmem:s30+$0xFFFFFC70] =	vst v1  }
0x1c7: {  	[tilespmem:s30+$0xFFFFFC80] =	vst v2  }
0x1c8: {  	[tilespmem:s30+$0xFFFFFC90] =	vst v2  }
0x1c9: {  	[tilespmem:s30+$0xFFFFFCA0] =	vst v2  }
0x1ca: {  	[tilespmem:s30+$0xFFFFFCB0] =	vst v2  }
0x1cb: {  	[tilespmem:s30+$0xFFFFFCC0] =	vst v2  }
0x1cc: {  	[tilespmem:s30+$0xFFFFFCD0] =	vst v2  }
0x1cd: {  	v51 =	vbroadcast v0, $0x2;
	[tilespmem:s30+$0xFFFFFCE0] =	vst v2  }
0x1ce: {  	[tilespmem:s30+$0xFFFFFCF0] =	vst v2  }
0x1cf: {  	[tilespmem:s30+$0xFFFFFD00] =	vst v51  }
0x1d0: {  	[tilespmem:s30+$0xFFFFFD10] =	vst v51  }
0x1d1: {  	[tilespmem:s30+$0xFFFFFD20] =	vst v51  }
0x1d2: {  	[tilespmem:s30+$0xFFFFFD30] =	vst v51  }
0x1d3: {  	[tilespmem:s30+$0xFFFFFD40] =	vst v51  }
0x1d4: {  	[tilespmem:s30+$0xFFFFFD50] =	vst v51  }
0x1d5: {  	v52 =	vbroadcast v0, $0x3;
	[tilespmem:s30+$0xFFFFFD60] =	vst v51  }
0x1d6: {  	[tilespmem:s30+$0xFFFFFD70] =	vst v51  }
0x1d7: {  	[tilespmem:s30+$0xFFFFFD80] =	vst v52  }
0x1d8: {  	[tilespmem:s30+$0xFFFFFD90] =	vst v52  }
0x1d9: {  	[tilespmem:s30+$0xFFFFFDA0] =	vst v52  }
0x1da: {  	[tilespmem:s30+$0xFFFFFDB0] =	vst v52  }
0x1db: {  	[tilespmem:s30+$0xFFFFFDC0] =	vst v52  }
0x1dc: {  	[tilespmem:s30+$0xFFFFFDD0] =	vst v52  }
0x1dd: {  	v53 =	vbroadcast v0, $0x4;
	[tilespmem:s30+$0xFFFFFDE0] =	vst v52  }
0x1de: {  	[tilespmem:s30+$0xFFFFFDF0] =	vst v52  }
0x1df: {  	[tilespmem:s30+$0xFFFFFE00] =	vst v53  }
0x1e0: {  	[tilespmem:s30+$0xFFFFFE10] =	vst v53  }
0x1e1: {  	[tilespmem:s30+$0xFFFFFE20] =	vst v53  }
0x1e2: {  	[tilespmem:s30+$0xFFFFFE30] =	vst v53  }
0x1e3: {  	[tilespmem:s30+$0xFFFFFE40] =	vst v53  }
0x1e4: {  	[tilespmem:s30+$0xFFFFFE50] =	vst v53  }
0x1e5: {  	v54 =	vbroadcast v0, $0x5;
	[tilespmem:s30+$0xFFFFFE60] =	vst v53  }
0x1e6: {  	[tilespmem:s30+$0xFFFFFE70] =	vst v53  }
0x1e7: {  	[tilespmem:s30+$0xFFFFFE80] =	vst v54  }
0x1e8: {  	[tilespmem:s30+$0xFFFFFE90] =	vst v54  }
0x1e9: {  	[tilespmem:s30+$0xFFFFFEA0] =	vst v54  }
0x1ea: {  	[tilespmem:s30+$0xFFFFFEB0] =	vst v54  }
0x1eb: {  	[tilespmem:s30+$0xFFFFFEC0] =	vst v54  }
0x1ec: {  	[tilespmem:s30+$0xFFFFFED0] =	vst v54  }
0x1ed: {  	v55 =	vbroadcast v0, $0x6;
	[tilespmem:s30+$0xFFFFFEE0] =	vst v54  }
0x1ee: {  	[tilespmem:s30+$0xFFFFFEF0] =	vst v54  }
0x1ef: {  	[tilespmem:s30+$0xFFFFFF00] =	vst v55  }
0x1f0: {  	[tilespmem:s30+$0xFFFFFF10] =	vst v55  }
0x1f1: {  	[tilespmem:s30+$0xFFFFFF20] =	vst v55  }
0x1f2: {  	[tilespmem:s30+$0xFFFFFF30] =	vst v55  }
0x1f3: {  	[tilespmem:s30+$0xFFFFFF40] =	vst v55  }
0x1f4: {  	[tilespmem:s30+$0xFFFFFF50] =	vst v55  }
0x1f5: {  	v56 =	vbroadcast v0, $0x7;
	[tilespmem:s30+$0xFFFFFF60] =	vst v55  }
0x1f6: {  	[tilespmem:s30+$0xFFFFFF70] =	vst v55  }
0x1f7: {  	[tilespmem:s30+$0xFFFFFF80] =	vst v56  }
0x1f8: {  	[tilespmem:s30+$0xFFFFFF90] =	vst v56  }
0x1f9: {  	[tilespmem:s30+$0xFFFFFFA0] =	vst v56  }
0x1fa: {  	[tilespmem:s30+$0xFFFFFFB0] =	vst v56  }
0x1fb: {  	[tilespmem:s30+$0xFFFFFFC0] =	vst v56  }
0x1fc: {  	[tilespmem:s30+$0xFFFFFFD0] =	vst v56  }
0x1fd: {  	v57 =	vbroadcast v0, $0x8;
	[tilespmem:s30+$0xFFFFFFE0] =	vst v56  }
0x1fe: {  	[tilespmem:s30+$0xFFFFFFF0] =	vst v56  }
0x1ff: {  	[tilespmem:s30+$0x0] =	vst v57  }
0x200: {  	[tilespmem:s30+$0x10] =	vst v57  }
0x201: {  	[tilespmem:s30+$0x20] =	vst v57  }
0x202: {  	[tilespmem:s30+$0x30] =	vst v57  }
0x203: {  	[tilespmem:s30+$0x40] =	vst v57  }
0x204: {  	[tilespmem:s30+$0x50] =	vst v57  }
0x205: {  	v58 =	vbroadcast v0, $0x9;
	[tilespmem:s30+$0x60] =	vst v57  }
0x206: {  	[tilespmem:s30+$0x70] =	vst v57  }
0x207: {  	[tilespmem:s30+$0x80] =	vst v58  }
0x208: {  	[tilespmem:s30+$0x90] =	vst v58  }
0x209: {  	[tilespmem:s30+$0xA0] =	vst v58  }
0x20a: {  	[tilespmem:s30+$0xB0] =	vst v58  }
0x20b: {  	[tilespmem:s30+$0xC0] =	vst v58  }
0x20c: {  	[tilespmem:s30+$0xD0] =	vst v58  }
0x20d: {  	v59 =	vbroadcast v0, $0xA;
	[tilespmem:s30+$0xE0] =	vst v58  }
0x20e: {  	[tilespmem:s30+$0xF0] =	vst v58  }
0x20f: {  	[tilespmem:s30+$0x100] =	vst v59  }
0x210: {  	[tilespmem:s30+$0x110] =	vst v59  }
0x211: {  	[tilespmem:s30+$0x120] =	vst v59  }
0x212: {  	[tilespmem:s30+$0x130] =	vst v59  }
0x213: {  	[tilespmem:s30+$0x140] =	vst v59  }
0x214: {  	[tilespmem:s30+$0x150] =	vst v59  }
0x215: {  	v60 =	vbroadcast v0, $0xB;
	[tilespmem:s30+$0x160] =	vst v59  }
0x216: {  	[tilespmem:s30+$0x170] =	vst v59  }
0x217: {  	[tilespmem:s30+$0x180] =	vst v60  }
0x218: {  	[tilespmem:s30+$0x190] =	vst v60  }
0x219: {  	[tilespmem:s30+$0x1A0] =	vst v60  }
0x21a: {  	[tilespmem:s30+$0x1B0] =	vst v60  }
0x21b: {  	[tilespmem:s30+$0x1C0] =	vst v60  }
0x21c: {  	[tilespmem:s30+$0x1D0] =	vst v60  }
0x21d: {  	v61 =	vbroadcast v0, $0xC;
	[tilespmem:s30+$0x1E0] =	vst v60  }
0x21e: {  	[tilespmem:s30+$0x1F0] =	vst v60  }
0x21f: {  	[tilespmem:s30+$0x200] =	vst v61  }
0x220: {  	[tilespmem:s30+$0x210] =	vst v61  }
0x221: {  	[tilespmem:s30+$0x220] =	vst v61  }
0x222: {  	[tilespmem:s30+$0x230] =	vst v61  }
0x223: {  	[tilespmem:s30+$0x240] =	vst v61  }
0x224: {  	[tilespmem:s30+$0x250] =	vst v61  }
0x225: {  	v62 =	vbroadcast v0, $0xD;
	[tilespmem:s30+$0x260] =	vst v61  }
0x226: {  	[tilespmem:s30+$0x270] =	vst v61  }
0x227: {  	[tilespmem:s30+$0x280] =	vst v62  }
0x228: {  	[tilespmem:s30+$0x290] =	vst v62  }
0x229: {  	[tilespmem:s30+$0x2A0] =	vst v62  }
0x22a: {  	[tilespmem:s30+$0x2B0] =	vst v62  }
0x22b: {  	[tilespmem:s30+$0x2C0] =	vst v62  }
0x22c: {  	[tilespmem:s30+$0x2D0] =	vst v62  }
0x22d: {  	v63 =	vbroadcast v0, $0xE;
	[tilespmem:s30+$0x2E0] =	vst v62  }
0x22e: {  	[tilespmem:s30+$0x2F0] =	vst v62  }
0x22f: {  	[tilespmem:s30+$0x300] =	vst v63  }
0x230: {  	[tilespmem:s30+$0x310] =	vst v63  }
0x231: {  	[tilespmem:s30+$0x320] =	vst v63  }
0x232: {  	[tilespmem:s30+$0x330] =	vst v63  }
0x233: {  	[tilespmem:s30+$0x340] =	vst v63  }
0x234: {  	[tilespmem:s30+$0x350] =	vst v63  }
0x235: {  	v0 =	vbroadcast v0, $0xF;
	[tilespmem:s30+$0x360] =	vst v63  }
0x236: {  	[tilespmem:s30+$0x370] =	vst v63  }
0x237: {  	[tilespmem:s30+$0x380] =	vst v0  }
0x238: {  	[tilespmem:s30+$0x390] =	vst v0  }
0x239: {  	[tilespmem:s30+$0x3A0] =	vst v0  }
0x23a: {  	[tilespmem:s30+$0x3B0] =	vst v0  }
0x23b: {  	[tilespmem:s30+$0x3C0] =	vst v0  }
0x23c: {  	[tilespmem:s30+$0x3D0] =	vst v0  }
0x23d: {  	s22 =	sshll.u32 s22, $0xD;
	[tilespmem:s30+$0x3E0] =	vst v0  }
0x23e: {  	s31 =	sadd.s32 s2, s22;
	[tilespmem:s30+$0x3F0] =	vst v0  }
0x23f: {  	[hbm4b:s31+s13] =	stream.strided.scatter [tilespmem:s15], [sflag:$0x2], $0x8000, s14, s13, $0x38;
	[tilespmem:$0xA000] =	vst v63  }
0x240: {  	s22 =	sadd.s32 s22, s7  }
0x241: {  	[hbm4b:s22+s13] =	stream.strided.scatter [tilespmem:s15], [sflag:$0x3], $0x8000, s14, s13, $0x38;
	[tilespmem:$0xA000] =	vst v63  }
0x242: {  	_ =	swait.ge [sflag:s16], $0x800  }
0x243: {  	[sflag:s16] =	ssyncset.done $0x0  }
0x244: {  	[sflag:s16] =	ssyncadd.s32 $0xFFFFF800  }
0x245: {  	_ =	swait.ge [sflag:s16], $0x800  }
0x246: {  	[sflag:s16] =	ssyncset.done $0x0  }
0x247: {  	[sflag:s16] =	ssyncadd.s32 $0xFFFFF800  }
0x248: {  	_ =	swait.ge [sflag:s16], $0x800  }
0x249: {  	[sflag:s16] =	ssyncset.done $0x0  }
0x24a: {  	[sflag:s16] =	ssyncadd.s32 $0xFFFFF800  }
0x24b: {  	_ =	swait.ge [sflag:s16], $0x800  }
0x24c: {  	[sflag:s16] =	ssyncset.done $0x0  }
0x24d: {  	[sflag:s16] =	ssyncadd.s32 $0xFFFFF800  }
0x24e: {  	_ =	swait.ge [sflag:s16], $0x800  }
0x24f: {  	[sflag:s16] =	ssyncset.done $0x0  }
0x250: {  	[sflag:s16] =	ssyncadd.s32 $0xFFFFF800  }
0x251: {  	_ =	swait.ge [sflag:s16], $0x800  }
0x252: {  	[sflag:s16] =	ssyncset.done $0x0  }
0x253: {  	[sflag:s16] =	ssyncadd.s32 $0xFFFFF800  }
0x254: {  	_ =	swait.ge [sflag:s16], $0x800  }
0x255: {  	[sflag:s16] =	ssyncset.done $0x0  }
0x256: {  	[sflag:s16] =	ssyncadd.s32 $0xFFFFF800  }
0x257: {  	_ =	swait.ge [sflag:s16], $0x800  }
0x258: {  	[sflag:s16] =	ssyncset.done $0x0  }
0x259: {  	[sflag:s16] =	ssyncadd.s32 $0xFFFFF800  }
0x25a: {  	_ =	swait.ge [sflag:s16], $0x800  }
0x25b: {  	[sflag:s16] =	ssyncset.done $0x0  }
0x25c: {  	[sflag:s16] =	ssyncadd.s32 $0xFFFFF800  }
0x25d: {  	_ =	swait.ge [sflag:s16], $0x800  }
0x25e: {  	[sflag:s16] =	ssyncset.done $0x0  }
0x25f: {  	[sflag:s16] =	ssyncadd.s32 $0xFFFFF800  }
0x260: {  	_ =	swait.ge [sflag:s16], $0x800  }
0x261: {  	[sflag:s16] =	ssyncset.done $0x0  }
0x262: {  	[sflag:s16] =	ssyncadd.s32 $0xFFFFF800  }
0x263: {  	_ =	swait.ge [sflag:s16], $0x800  }
0x264: {  	[sflag:s16] =	ssyncset.done $0x0  }
0x265: {  	[sflag:s16] =	ssyncadd.s32 $0xFFFFF800  }
0x266: {  	_ =	swait.ge [sflag:s16], $0x800  }
0x267: {  	[sflag:s16] =	ssyncset.done $0x0  }
0x268: {  	[sflag:s16] =	ssyncadd.s32 $0xFFFFF800  }
0x269: {  	_ =	swait.ge [sflag:s16], $0x800  }
0x26a: {  	[sflag:s16] =	ssyncset.done $0x0  }
0x26b: {  	[sflag:s16] =	ssyncadd.s32 $0xFFFFF800  }
0x26c: {  	_ =	swait.ge [sflag:s16], $0x800  }
0x26d: {  	[sflag:s16] =	ssyncset.done $0x0  }
0x26e: {  	[sflag:s16] =	ssyncadd.s32 $0xFFFFF800  }
0x26f: {  	_ =	swait.ge [sflag:s16], $0x800  }
0x270: {  	[sflag:s16] =	ssyncset.done $0x0  }
0x271: {  	[sflag:s16] =	ssyncadd.s32 $0xFFFFF800  }
0x272: {  	_ =	swait.ge [sflag:s16], $0x800  }
0x273: {  	[sflag:s16] =	ssyncset.done $0x0  }
0x274: {  	[sflag:s16] =	ssyncadd.s32 $0xFFFFF800  }
0x275: {  	_ =	swait.ge [sflag:s16], $0x800  }
0x276: {  	[sflag:s16] =	ssyncset.done $0x0  }
0x277: {  	[sflag:s16] =	ssyncadd.s32 $0xFFFFF800  }
0x278: {  	_ =	swait.ge [sflag:s16], $0x800  }
0x279: {  	[sflag:s16] =	ssyncset.done $0x0  }
0x27a: {  	[sflag:s16] =	ssyncadd.s32 $0xFFFFF800  }
0x27b: {  	_ =	swait.ge [sflag:s16], $0x800  }
0x27c: {  	[sflag:s16] =	ssyncset.done $0x0  }
0x27d: {  	[sflag:s16] =	ssyncadd.s32 $0xFFFFF800  }
0x27e: {  	_ =	swait.ge [sflag:s16], $0x800  }
0x27f: {  	[sflag:s16] =	ssyncset.done $0x0  }
0x280: {  	[sflag:s16] =	ssyncadd.s32 $0xFFFFF800  }
0x281: {  	_ =	swait.ge [sflag:s16], $0x800  }
0x282: {  	[sflag:s16] =	ssyncset.done $0x0  }
0x283: {  	[sflag:s16] =	ssyncadd.s32 $0xFFFFF800  }
0x284: {  	_ =	swait.ge [sflag:s16], $0x800  }
0x285: {  	[sflag:s16] =	ssyncset.done $0x0  }
0x286: {  	[sflag:s16] =	ssyncadd.s32 $0xFFFFF800  }
0x287: {  	_ =	swait.ge [sflag:s16], $0x800  }
0x288: {  	[sflag:s16] =	ssyncset.done $0x0  }
0x289: {  	[sflag:s16] =	ssyncadd.s32 $0xFFFFF800  }
0x28a: {  	_ =	swait.ge [sflag:s16], $0x800  }
0x28b: {  	[sflag:s16] =	ssyncset.done $0x0  }
0x28c: {  	[sflag:s16] =	ssyncadd.s32 $0xFFFFF800  }
0x28d: {  	_ =	swait.ge [sflag:s16], $0x800  }
0x28e: {  	[sflag:s16] =	ssyncset.done $0x0  }
0x28f: {  	[sflag:s16] =	ssyncadd.s32 $0xFFFFF800  }
0x290: {  	_ =	swait.ge [sflag:s16], $0x800  }
0x291: {  	[sflag:s16] =	ssyncset.done $0x0  }
0x292: {  	[sflag:s16] =	ssyncadd.s32 $0xFFFFF800  }
0x293: {  	_ =	swait.ge [sflag:s16], $0x800  }
0x294: {  	[sflag:s16] =	ssyncset.done $0x0  }
0x295: {  	[sflag:s16] =	ssyncadd.s32 $0xFFFFF800  }
0x296: {  	_ =	swait.ge [sflag:s16], $0x800  }
0x297: {  	[sflag:s16] =	ssyncset.done $0x0  }
0x298: {  	[sflag:s16] =	ssyncadd.s32 $0xFFFFF800  }
0x299: {  	_ =	swait.ge [sflag:s16], $0x800  }
0x29a: {  	[sflag:s16] =	ssyncset.done $0x0  }
0x29b: {  	s21 =	sadd.s32 $0x1, s21;
	[sflag:s16] =	ssyncadd.s32 $0xFFFFF800  }
0x29c: {  	p0 =	sne.s32 s21, $0xC;
	_ =	swait.ge [sflag:s16], $0x800  }
.Ltmp2:
0x29d: {  	[sflag:s16] =	ssyncset.done $0x0;
	(pc) =	sbr.rel @p0 .LBB2_2-.Ltmp2, $4  }
0x29e: {  	[sflag:s16] =	ssyncadd.s32 $0xFFFFF800  }
0x29f: {  	_ =	swait.ge [sflag:s16], $0x800  }
0x2a0: {  	[sflag:s16] =	ssyncset.done $0x0  }
0x2a1: {  	s20 =	sadd.s32 $0x2000, s20;
	[sflag:s16] =	ssyncadd.s32 $0xFFFFF800  }
0x2a2: {  	s19 =	sadd.s32 $0x1, s19  }
0x2a3: {  	_ =	swait.ge [sflag:s17], $0x8000;
	p0 =	sne.s32 s19, s8  }
.Ltmp3:
0x2a4: {  	[sflag:s17] =	ssyncset.done $0x0;
	(pc) =	sbr.rel @p0 .LBB2_1-.Ltmp3, $4  }
0x2a5: {  	[sflag:s17] =	ssyncadd.s32 $0xFFFF8000  }
0x2a6: {  	_ =	swait.ge [sflag:s18], $0x8000  }
0x2a7: {  	[sflag:s18] =	ssyncset.done $0x0  }
0x2a8: {  	[sflag:s18] =	ssyncadd.s32 $0xFFFF8000  }
0x2a9: {  	_ =	sfence.sel $0x180000  }
0x2aa: {  	[bflag:$0x0] =	sbarrier.arrive $0xFFFF  }
0x2ab: {  	p0 =	sne.s32 s0, $0x0;
	_ =	strace $0x90000047  }
0x2ac: {  	s0 =	sadd.s32 @!p0 $0x100000, s1;
	[bflag:$0x2] =	sbarrier.arrive $0xFFFF  }
0x2ad: {  	[sflag:s0] =	ssyncadd.tile.s32 @!p0 $0x1;
	_ =	shalt  }
.Lfunc_end2:
_tile_overlayer_lowered:
.L_overlay_start_2:
0x2ae: {  	(tag) =	ssettag $0x2  }
0x2af: {  	s0 =	rddreg [dreg:$0x0];
	s2 =	stileid.u32  }
0x2b0: {  	s1 =	rddreg [dreg:$0x1];
	p0 =	sne.s32 s2, $0x0  }
0x2b1: {  	s3 =	rddreg [dreg:$0x2];
	[bflag:$0x3] =	sbarrier.arrive $0xFFFF;
	s2 =	simm.s32 @!p0 $0x1C04  }
0x2b2: {  	[timem:s3], [sflag:s2] =	dma.local @!p0 [hbm:s0], s1  }
0x2b3: {  	s0 =	simm.s32 @!p0 $0x4  }
0x2b4: {  	_ =	swait.ge @!p0 [sflag:s0], s1  }
0x2b5: {  	s1 =	ssub.s32 @!p0 $0x0, s1;
	[sflag:s0] =	ssyncset.done @!p0 $0x0  }
0x2b6: {  	[sflag:s0] =	ssyncadd.s32 @!p0 s1  }
0x2b7: {  	[bflag:$0x3] =	sbarrier.arrive $0xFFFF  }
0x2b8: {  	_ =	shalt  }

</sc_bundles>
